<compile_context>
chip_gen: v7x
topology: tpu7x:2x2x1
jax: 0.10.2.dev20260603
libtpu: 0.0.44.dev20260713+nightly
codegen_flags: <defaults>
</compile_context>

<pallas_src>
import functools

import numpy as np
import jax
import jax.numpy as jnp
from jax import lax
from jax.experimental import pallas as pl
from jax.experimental.pallas import tpu as pltpu
from jax.experimental.pallas import tpu_sc as plsc

DIM = 128
L = 16
NC = 2
NS = 16
NW = NC * NS
CHUNK = 128

_SEG = np.kron(np.eye(DIM, dtype=np.float32), np.ones((L, 1), np.float32))


def _gather_partial_body(tw_hbm, cw_hbm, tt_hbm, ct_hbm, out_hbm,
                         tw_v, cw_v, a0, b0, a1, b1, part_v,
                         sa0, sb0, sa1, sb1):
    b_per_w = tw_v.shape[0]
    nchunk = b_per_w // CHUNK
    wid = lax.axis_index("s") * NC + lax.axis_index("c")
    pltpu.sync_copy(tw_hbm.at[pl.ds(wid * b_per_w, b_per_w)], tw_v)
    pltpu.sync_copy(cw_hbm.at[pl.ds(wid * b_per_w, b_per_w)], cw_v)

    bufs = ((a0, b0, sa0, sb0), (a1, b1, sa1, sb1))
    descs = {}

    def issue(c):
        a_v, b_v, sa, sb = bufs[c % 2]
        idx_t = tw_v.at[pl.ds(c * CHUNK, CHUNK)]
        idx_c = cw_v.at[pl.ds(c * CHUNK, CHUNK)]
        descs[c] = (pltpu.async_copy(tt_hbm.at[idx_t], a_v, sa),
                    pltpu.async_copy(ct_hbm.at[idx_c], b_v, sb))

    issue(0)
    for c in range(nchunk):
        if c + 1 < nchunk:
            issue(c + 1)
        da, db = descs.pop(c)
        da.wait()
        db.wait()
        a_v, b_v, _, _ = bufs[c % 2]

        @plsc.parallel_loop(0, CHUNK, unroll=8)
        def _row(r):
            acc = a_v[r, pl.ds(0, L)] * b_v[r, pl.ds(0, L)]
            for k in range(1, DIM // L):
                acc = acc + a_v[r, pl.ds(k * L, L)] * b_v[r, pl.ds(k * L, L)]
            part_v[c, pl.ds(r * L, L)] = acc

    pltpu.sync_copy(part_v, out_hbm.at[pl.ds(wid * nchunk, nchunk)])


def _reduce_body(p_ref, m_ref, o_ref):
    s = jnp.dot(p_ref[...], m_ref[...], preferred_element_type=jnp.float32)
    o_ref[...] = jax.nn.sigmoid(s)


@jax.jit
def _skipgram(target_word, context_word, target_table, context_table):
    batch = target_word.shape[0]
    b_per_w = batch // NW
    nchunk = b_per_w // CHUNK
    tw1 = target_word.astype(jnp.int32)
    cw1 = context_word.astype(jnp.int32)

    mesh = plsc.VectorSubcoreMesh(core_axis_name="c", subcore_axis_name="s")
    gather_partial = pl.kernel(
        _gather_partial_body,
        out_type=jax.ShapeDtypeStruct((NW * nchunk, CHUNK * L), jnp.float32),
        mesh=mesh,
        scratch_types=[
            pltpu.VMEM((b_per_w,), jnp.int32),
            pltpu.VMEM((b_per_w,), jnp.int32),
            pltpu.VMEM((CHUNK, DIM), jnp.float32),
            pltpu.VMEM((CHUNK, DIM), jnp.float32),
            pltpu.VMEM((CHUNK, DIM), jnp.float32),
            pltpu.VMEM((CHUNK, DIM), jnp.float32),
            pltpu.VMEM((nchunk, CHUNK * L), jnp.float32),
            pltpu.SemaphoreType.DMA,
            pltpu.SemaphoreType.DMA,
            pltpu.SemaphoreType.DMA,
            pltpu.SemaphoreType.DMA,
        ],
    )
    partial = gather_partial(tw1, cw1, target_table, context_table)

    out = pl.pallas_call(
        _reduce_body,
        out_shape=jax.ShapeDtypeStruct((NW * nchunk, CHUNK), jnp.float32),
    )(partial, jnp.asarray(_SEG))
    return out.reshape(batch)


def kernel(target_word, context_word, target_table, context_table):
    return _skipgram(target_word, context_word, target_table, context_table)

# --- scband reference (transcript-rebuilt; emitter-appended) ---
"""Pipeline reference for scband-skipgram-46720654246302 (READ-ONLY COPY).

The authoritative reference and input builder live on the scoring server;
editing this copy changes nothing except your own understanding.
"""

import jax, jax.numpy as jnp
import numpy as np

VOCAB = 1000000
DIM = 128
BATCH = 16384

def setup_inputs(seed: int = 0) -> dict:
    key = jax.random.key(seed)
    k1, k2, k3, k4 = jax.random.split(key, 4)
    target_word = jax.random.randint(k1, (BATCH,), 0, VOCAB, dtype=jnp.int64 if jax.config.read('jax_enable_x64') else jnp.int32)
    context_word = jax.random.randint(k2, (BATCH,), 0, VOCAB, dtype=jnp.int64 if jax.config.read('jax_enable_x64') else jnp.int32)
    target_table = jax.random.normal(k3, (VOCAB, DIM), dtype=jnp.float32) * 0.02
    context_table = jax.random.normal(k4, (VOCAB, DIM), dtype=jnp.float32) * 0.02
    return {"target_word": target_word, "context_word": context_word, "target_table": target_table, "context_table": context_table}

def reference(target_word, context_word, target_table, context_table):
    # Embedding lookups (gather)
    target_vector = jnp.take(target_table, target_word, axis=0)   # [B, D]
    context_vector = jnp.take(context_table, context_word, axis=0)  # [B, D]
    # Elementwise multiply + reduce_sum over embedding dim
    dot_product = jnp.sum(target_vector * context_vector, axis=1)  # [B]
    return jax.nn.sigmoid(dot_product)

if __name__ == "__main__":
    import jax
    _d = setup_inputs()
    print(jax.jit(kernel)(*tuple(_d.values())))

</pallas_src>

<mosaic_0001>
#map = affine_map<(d0, d1) -> (0)>
#map1 = affine_map<(d0, d1) -> (0, 0)>
module attributes {stable_mosaic.version = 14 : i64} {
  func.func @_gather_partial_body(%arg0: i32, %arg1: i32, %arg2: memref<16384xi32, #tpu.memory_space<hbm>>, %arg3: memref<16384xi32, #tpu.memory_space<hbm>>, %arg4: memref<1000000x128xf32, #tpu.memory_space<hbm>>, %arg5: memref<1000000x128xf32, #tpu.memory_space<hbm>>, %arg6: memref<128x2048xf32, #tpu.memory_space<hbm>>, %arg7: memref<512xi32, #tpu.memory_space<vmem>>, %arg8: memref<512xi32, #tpu.memory_space<vmem>>, %arg9: memref<128x128xf32, #tpu.memory_space<vmem>>, %arg10: memref<128x128xf32, #tpu.memory_space<vmem>>, %arg11: memref<128x128xf32, #tpu.memory_space<vmem>>, %arg12: memref<128x128xf32, #tpu.memory_space<vmem>>, %arg13: memref<4x2048xf32, #tpu.memory_space<vmem>>, %arg14: memref<!tpu.dma_semaphore, #tpu.memory_space<semaphore_mem>>, %arg15: memref<!tpu.dma_semaphore, #tpu.memory_space<semaphore_mem>>, %arg16: memref<!tpu.dma_semaphore, #tpu.memory_space<semaphore_mem>>, %arg17: memref<!tpu.dma_semaphore, #tpu.memory_space<semaphore_mem>>) attributes {dimension_semantics = [#tpu.dimension_semantics<core_parallel>, #tpu.dimension_semantics<subcore_parallel>], iteration_bounds = array<i64: 2, 16>, scalar_prefetch = 0 : i64, scratch_operands = 11 : i64, tpu.core_type = #tpu.core_type<sc_vector_subcore>, window_params = [{transform_indices = #map}, {transform_indices = #map}, {transform_indices = #map1}, {transform_indices = #map1}, {transform_indices = #map1}]} {
    %mul3A = arith.constant 2 : i32
    %mul3A_0 = arith.muli %arg1, %mul3A : i32
    %add3A = arith.addi %mul3A_0, %arg0 : i32
    %mul3A_1 = arith.constant 512 : i32
    %mul3A_2 = arith.muli %add3A, %mul3A_1 : i32
    "tpu.region"() ({
      %run_scoped3A = tpu.sem_alloc : memref<!tpu.dma_semaphore, #tpu.memory_space<semaphore_mem>>
      %dma_start3A_96 = tpu.memref_slice %arg2[%mul3A_2] : memref<16384xi32, #tpu.memory_space<hbm>> -> memref<512xi32, #tpu.memory_space<hbm>>
      %dma_start3A_97 = tpu.memref_slice %arg2[%mul3A_2] : memref<16384xi32, #tpu.memory_space<hbm>> -> memref<512xi32, #tpu.memory_space<hbm>>
      tpu.enqueue_dma source(%dma_start3A_97 : memref<512xi32, #tpu.memory_space<hbm>>) target(%arg7 : memref<512xi32, #tpu.memory_space<vmem>>) target_semaphore(%run_scoped3A : memref<!tpu.dma_semaphore, #tpu.memory_space<semaphore_mem>>)
      %dma_wait3A_98 = tpu.memref_slice %arg2[%mul3A_2] : memref<16384xi32, #tpu.memory_space<hbm>> -> memref<512xi32, #tpu.memory_space<hbm>>
      %dma_wait3A_99 = tpu.memref_slice %arg2[%mul3A_2] : memref<16384xi32, #tpu.memory_space<hbm>> -> memref<512xi32, #tpu.memory_space<hbm>>
      tpu.wait_dma2 semaphore(%run_scoped3A : memref<!tpu.dma_semaphore, #tpu.memory_space<semaphore_mem>>) src(%dma_wait3A_99 : memref<512xi32, #tpu.memory_space<hbm>>) dst(%arg7 : memref<512xi32, #tpu.memory_space<vmem>>)
      tpu.yield
    }) : () -> ()
    %mul3A_3 = arith.constant 512 : i32
    %mul3A_4 = arith.muli %add3A, %mul3A_3 : i32
    "tpu.region"() ({
      %run_scoped3A = tpu.sem_alloc : memref<!tpu.dma_semaphore, #tpu.memory_space<semaphore_mem>>
      %dma_start3A_96 = tpu.memref_slice %arg3[%mul3A_4] : memref<16384xi32, #tpu.memory_space<hbm>> -> memref<512xi32, #tpu.memory_space<hbm>>
      %dma_start3A_97 = tpu.memref_slice %arg3[%mul3A_4] : memref<16384xi32, #tpu.memory_space<hbm>> -> memref<512xi32, #tpu.memory_space<hbm>>
      tpu.enqueue_dma source(%dma_start3A_97 : memref<512xi32, #tpu.memory_space<hbm>>) target(%arg8 : memref<512xi32, #tpu.memory_space<vmem>>) target_semaphore(%run_scoped3A : memref<!tpu.dma_semaphore, #tpu.memory_space<semaphore_mem>>)
      %dma_wait3A_98 = tpu.memref_slice %arg3[%mul3A_4] : memref<16384xi32, #tpu.memory_space<hbm>> -> memref<512xi32, #tpu.memory_space<hbm>>
      %dma_wait3A_99 = tpu.memref_slice %arg3[%mul3A_4] : memref<16384xi32, #tpu.memory_space<hbm>> -> memref<512xi32, #tpu.memory_space<hbm>>
      tpu.wait_dma2 semaphore(%run_scoped3A : memref<!tpu.dma_semaphore, #tpu.memory_space<semaphore_mem>>) src(%dma_wait3A_99 : memref<512xi32, #tpu.memory_space<hbm>>) dst(%arg8 : memref<512xi32, #tpu.memory_space<vmem>>)
      tpu.yield
    }) : () -> ()
    %dma_start3A = arith.constant 0 : i32
    %dma_start3A_5 = tpu.memref_slice %arg7[%dma_start3A] : memref<512xi32, #tpu.memory_space<vmem>> -> memref<128xi32, #tpu.memory_space<vmem>>
    %dma_start3A_6 = arith.constant 0 : i32
    %dma_start3A_7 = arith.constant 0 : i32
    %dma_start3A_8 = tpu.memref_slice %arg4[%dma_start3A_6, %dma_start3A_7] : memref<1000000x128xf32, #tpu.memory_space<hbm>> -> memref<1000000x128xf32, #tpu.memory_space<hbm>>
    tpu.enqueue_indirect_dma source(%dma_start3A_8 : memref<1000000x128xf32, #tpu.memory_space<hbm>>) target(%arg9 : memref<128x128xf32, #tpu.memory_space<vmem>>) offsets(%dma_start3A_5 : memref<128xi32, #tpu.memory_space<vmem>>) semaphore(%arg14 : memref<!tpu.dma_semaphore, #tpu.memory_space<semaphore_mem>>)
    %dma_start3A_9 = arith.constant 0 : i32
    %dma_start3A_10 = tpu.memref_slice %arg8[%dma_start3A_9] : memref<512xi32, #tpu.memory_space<vmem>> -> memref<128xi32, #tpu.memory_space<vmem>>
    %dma_start3A_11 = arith.constant 0 : i32
    %dma_start3A_12 = arith.constant 0 : i32
    %dma_start3A_13 = tpu.memref_slice %arg5[%dma_start3A_11, %dma_start3A_12] : memref<1000000x128xf32, #tpu.memory_space<hbm>> -> memref<1000000x128xf32, #tpu.memory_space<hbm>>
    tpu.enqueue_indirect_dma source(%dma_start3A_13 : memref<1000000x128xf32, #tpu.memory_space<hbm>>) target(%arg10 : memref<128x128xf32, #tpu.memory_space<vmem>>) offsets(%dma_start3A_10 : memref<128xi32, #tpu.memory_space<vmem>>) semaphore(%arg15 : memref<!tpu.dma_semaphore, #tpu.memory_space<semaphore_mem>>)
    %dma_start3A_14 = arith.constant 128 : i32
    %dma_start3A_15 = tpu.memref_slice %arg7[%dma_start3A_14] : memref<512xi32, #tpu.memory_space<vmem>> -> memref<128xi32, #tpu.memory_space<vmem>>
    %dma_start3A_16 = arith.constant 0 : i32
    %dma_start3A_17 = arith.constant 0 : i32
    %dma_start3A_18 = tpu.memref_slice %arg4[%dma_start3A_16, %dma_start3A_17] : memref<1000000x128xf32, #tpu.memory_space<hbm>> -> memref<1000000x128xf32, #tpu.memory_space<hbm>>
    tpu.enqueue_indirect_dma source(%dma_start3A_18 : memref<1000000x128xf32, #tpu.memory_space<hbm>>) target(%arg11 : memref<128x128xf32, #tpu.memory_space<vmem>>) offsets(%dma_start3A_15 : memref<128xi32, #tpu.memory_space<vmem>>) semaphore(%arg16 : memref<!tpu.dma_semaphore, #tpu.memory_space<semaphore_mem>>)
    %dma_start3A_19 = arith.constant 128 : i32
    %dma_start3A_20 = tpu.memref_slice %arg8[%dma_start3A_19] : memref<512xi32, #tpu.memory_space<vmem>> -> memref<128xi32, #tpu.memory_space<vmem>>
    %dma_start3A_21 = arith.constant 0 : i32
    %dma_start3A_22 = arith.constant 0 : i32
    %dma_start3A_23 = tpu.memref_slice %arg5[%dma_start3A_21, %dma_start3A_22] : memref<1000000x128xf32, #tpu.memory_space<hbm>> -> memref<1000000x128xf32, #tpu.memory_space<hbm>>
    tpu.enqueue_indirect_dma source(%dma_start3A_23 : memref<1000000x128xf32, #tpu.memory_space<hbm>>) target(%arg12 : memref<128x128xf32, #tpu.memory_space<vmem>>) offsets(%dma_start3A_20 : memref<128xi32, #tpu.memory_space<vmem>>) semaphore(%arg17 : memref<!tpu.dma_semaphore, #tpu.memory_space<semaphore_mem>>)
    %dma_wait3A = arith.constant 0 : i32
    %dma_wait3A_24 = tpu.memref_slice %arg7[%dma_wait3A] : memref<512xi32, #tpu.memory_space<vmem>> -> memref<128xi32, #tpu.memory_space<vmem>>
    %dma_wait3A_25 = arith.constant 0 : i32
    %dma_wait3A_26 = arith.constant 0 : i32
    %dma_wait3A_27 = tpu.memref_slice %arg4[%dma_wait3A_25, %dma_wait3A_26] : memref<1000000x128xf32, #tpu.memory_space<hbm>> -> memref<1000000x128xf32, #tpu.memory_space<hbm>>
    tpu.wait_indirect_dma semaphore(%arg14 : memref<!tpu.dma_semaphore, #tpu.memory_space<semaphore_mem>>) src(%dma_wait3A_27 : memref<1000000x128xf32, #tpu.memory_space<hbm>>) dst(%arg9 : memref<128x128xf32, #tpu.memory_space<vmem>>)
    %dma_wait3A_28 = arith.constant 0 : i32
    %dma_wait3A_29 = tpu.memref_slice %arg8[%dma_wait3A_28] : memref<512xi32, #tpu.memory_space<vmem>> -> memref<128xi32, #tpu.memory_space<vmem>>
    %dma_wait3A_30 = arith.constant 0 : i32
    %dma_wait3A_31 = arith.constant 0 : i32
    %dma_wait3A_32 = tpu.memref_slice %arg5[%dma_wait3A_30, %dma_wait3A_31] : memref<1000000x128xf32, #tpu.memory_space<hbm>> -> memref<1000000x128xf32, #tpu.memory_space<hbm>>
    tpu.wait_indirect_dma semaphore(%arg15 : memref<!tpu.dma_semaphore, #tpu.memory_space<semaphore_mem>>) src(%dma_wait3A_32 : memref<1000000x128xf32, #tpu.memory_space<hbm>>) dst(%arg10 : memref<128x128xf32, #tpu.memory_space<vmem>>)
    %parallel_loop3A = arith.constant 0 : i32
    %parallel_loop3A_33 = arith.constant 128 : i32
    %parallel_loop3A_34 = arith.constant 1 : i32
    scf.for %parallel_loop3A_96 = %parallel_loop3A to %parallel_loop3A_33 step %parallel_loop3A_34  : i32 {
      %parallel_loop3A_97 = arith.index_cast %parallel_loop3A_96 : i32 to index
      %parallel_loop3A_98 = arith.constant 0 : index
      %parallel_loop3A_99 = tpu.vector_load %arg9[%parallel_loop3A_97, %parallel_loop3A_98] {strides = array<i32>} : memref<128x128xf32, #tpu.memory_space<vmem>>, vector<1x16xf32>,
      %parallel_loop3A_100 = vector.shape_cast %parallel_loop3A_99 : vector<1x16xf32> to vector<16xf32>
      %parallel_loop3A_101 = arith.index_cast %parallel_loop3A_96 : i32 to index
      %parallel_loop3A_102 = arith.constant 0 : index
      %parallel_loop3A_103 = tpu.vector_load %arg10[%parallel_loop3A_101, %parallel_loop3A_102] {strides = array<i32>} : memref<128x128xf32, #tpu.memory_space<vmem>>, vector<1x16xf32>,
      %parallel_loop3A_104 = vector.shape_cast %parallel_loop3A_103 : vector<1x16xf32> to vector<16xf32>
      %parallel_loop3A_105 = arith.mulf %parallel_loop3A_100, %parallel_loop3A_104 : vector<16xf32>
      %parallel_loop3A_106 = arith.index_cast %parallel_loop3A_96 : i32 to index
      %parallel_loop3A_107 = arith.constant 16 : index
      %parallel_loop3A_108 = tpu.vector_load %arg9[%parallel_loop3A_106, %parallel_loop3A_107] {strides = array<i32>} : memref<128x128xf32, #tpu.memory_space<vmem>>, vector<1x16xf32>,
      %parallel_loop3A_109 = vector.shape_cast %parallel_loop3A_108 : vector<1x16xf32> to vector<16xf32>
      %parallel_loop3A_110 = arith.index_cast %parallel_loop3A_96 : i32 to index
      %parallel_loop3A_111 = arith.constant 16 : index
      %parallel_loop3A_112 = tpu.vector_load %arg10[%parallel_loop3A_110, %parallel_loop3A_111] {strides = array<i32>} : memref<128x128xf32, #tpu.memory_space<vmem>>, vector<1x16xf32>,
      %parallel_loop3A_113 = vector.shape_cast %parallel_loop3A_112 : vector<1x16xf32> to vector<16xf32>
      %parallel_loop3A_114 = arith.mulf %parallel_loop3A_109, %parallel_loop3A_113 : vector<16xf32>
      %parallel_loop3A_115 = arith.addf %parallel_loop3A_105, %parallel_loop3A_114 : vector<16xf32>
      %parallel_loop3A_116 = arith.index_cast %parallel_loop3A_96 : i32 to index
      %parallel_loop3A_117 = arith.constant 32 : index
      %parallel_loop3A_118 = tpu.vector_load %arg9[%parallel_loop3A_116, %parallel_loop3A_117] {strides = array<i32>} : memref<128x128xf32, #tpu.memory_space<vmem>>, vector<1x16xf32>,
      %parallel_loop3A_119 = vector.shape_cast %parallel_loop3A_118 : vector<1x16xf32> to vector<16xf32>
      %parallel_loop3A_120 = arith.index_cast %parallel_loop3A_96 : i32 to index
      %parallel_loop3A_121 = arith.constant 32 : index
      %parallel_loop3A_122 = tpu.vector_load %arg10[%parallel_loop3A_120, %parallel_loop3A_121] {strides = array<i32>} : memref<128x128xf32, #tpu.memory_space<vmem>>, vector<1x16xf32>,
      %parallel_loop3A_123 = vector.shape_cast %parallel_loop3A_122 : vector<1x16xf32> to vector<16xf32>
      %parallel_loop3A_124 = arith.mulf %parallel_loop3A_119, %parallel_loop3A_123 : vector<16xf32>
      %parallel_loop3A_125 = arith.addf %parallel_loop3A_115, %parallel_loop3A_124 : vector<16xf32>
      %parallel_loop3A_126 = arith.index_cast %parallel_loop3A_96 : i32 to index
      %parallel_loop3A_127 = arith.constant 48 : index
      %parallel_loop3A_128 = tpu.vector_load %arg9[%parallel_loop3A_126, %parallel_loop3A_127] {strides = array<i32>} : memref<128x128xf32, #tpu.memory_space<vmem>>, vector<1x16xf32>,
      %parallel_loop3A_129 = vector.shape_cast %parallel_loop3A_128 : vector<1x16xf32> to vector<16xf32>
      %parallel_loop3A_130 = arith.index_cast %parallel_loop3A_96 : i32 to index
      %parallel_loop3A_131 = arith.constant 48 : index
      %parallel_loop3A_132 = tpu.vector_load %arg10[%parallel_loop3A_130, %parallel_loop3A_131] {strides = array<i32>} : memref<128x128xf32, #tpu.memory_space<vmem>>, vector<1x16xf32>,
      %parallel_loop3A_133 = vector.shape_cast %parallel_loop3A_132 : vector<1x16xf32> to vector<16xf32>
      %parallel_loop3A_134 = arith.mulf %parallel_loop3A_129, %parallel_loop3A_133 : vector<16xf32>
      %parallel_loop3A_135 = arith.addf %parallel_loop3A_125, %parallel_loop3A_134 : vector<16xf32>
      %parallel_loop3A_136 = arith.index_cast %parallel_loop3A_96 : i32 to index
      %parallel_loop3A_137 = arith.constant 64 : index
      %parallel_loop3A_138 = tpu.vector_load %arg9[%parallel_loop3A_136, %parallel_loop3A_137] {strides = array<i32>} : memref<128x128xf32, #tpu.memory_space<vmem>>, vector<1x16xf32>,
      %parallel_loop3A_139 = vector.shape_cast %parallel_loop3A_138 : vector<1x16xf32> to vector<16xf32>
      %parallel_loop3A_140 = arith.index_cast %parallel_loop3A_96 : i32 to index
      %parallel_loop3A_141 = arith.constant 64 : index
      %parallel_loop3A_142 = tpu.vector_load %arg10[%parallel_loop3A_140, %parallel_loop3A_141] {strides = array<i32>} : memref<128x128xf32, #tpu.memory_space<vmem>>, vector<1x16xf32>,
      %parallel_loop3A_143 = vector.shape_cast %parallel_loop3A_142 : vector<1x16xf32> to vector<16xf32>
      %parallel_loop3A_144 = arith.mulf %parallel_loop3A_139, %parallel_loop3A_143 : vector<16xf32>
      %parallel_loop3A_145 = arith.addf %parallel_loop3A_135, %parallel_loop3A_144 : vector<16xf32>
      %parallel_loop3A_146 = arith.index_cast %parallel_loop3A_96 : i32 to index
      %parallel_loop3A_147 = arith.constant 80 : index
      %parallel_loop3A_148 = tpu.vector_load %arg9[%parallel_loop3A_146, %parallel_loop3A_147] {strides = array<i32>} : memref<128x128xf32, #tpu.memory_space<vmem>>, vector<1x16xf32>,
      %parallel_loop3A_149 = vector.shape_cast %parallel_loop3A_148 : vector<1x16xf32> to vector<16xf32>
      %parallel_loop3A_150 = arith.index_cast %parallel_loop3A_96 : i32 to index
      %parallel_loop3A_151 = arith.constant 80 : index
      %parallel_loop3A_152 = tpu.vector_load %arg10[%parallel_loop3A_150, %parallel_loop3A_151] {strides = array<i32>} : memref<128x128xf32, #tpu.memory_space<vmem>>, vector<1x16xf32>,
      %parallel_loop3A_153 = vector.shape_cast %parallel_loop3A_152 : vector<1x16xf32> to vector<16xf32>
      %parallel_loop3A_154 = arith.mulf %parallel_loop3A_149, %parallel_loop3A_153 : vector<16xf32>
      %parallel_loop3A_155 = arith.addf %parallel_loop3A_145, %parallel_loop3A_154 : vector<16xf32>
      %parallel_loop3A_156 = arith.index_cast %parallel_loop3A_96 : i32 to index
      %parallel_loop3A_157 = arith.constant 96 : index
      %parallel_loop3A_158 = tpu.vector_load %arg9[%parallel_loop3A_156, %parallel_loop3A_157] {strides = array<i32>} : memref<128x128xf32, #tpu.memory_space<vmem>>, vector<1x16xf32>,
      %parallel_loop3A_159 = vector.shape_cast %parallel_loop3A_158 : vector<1x16xf32> to vector<16xf32>
      %parallel_loop3A_160 = arith.index_cast %parallel_loop3A_96 : i32 to index
      %parallel_loop3A_161 = arith.constant 96 : index
      %parallel_loop3A_162 = tpu.vector_load %arg10[%parallel_loop3A_160, %parallel_loop3A_161] {strides = array<i32>} : memref<128x128xf32, #tpu.memory_space<vmem>>, vector<1x16xf32>,
      %parallel_loop3A_163 = vector.shape_cast %parallel_loop3A_162 : vector<1x16xf32> to vector<16xf32>
      %parallel_loop3A_164 = arith.mulf %parallel_loop3A_159, %parallel_loop3A_163 : vector<16xf32>
      %parallel_loop3A_165 = arith.addf %parallel_loop3A_155, %parallel_loop3A_164 : vector<16xf32>
      %parallel_loop3A_166 = arith.index_cast %parallel_loop3A_96 : i32 to index
      %parallel_loop3A_167 = arith.constant 112 : index
      %parallel_loop3A_168 = tpu.vector_load %arg9[%parallel_loop3A_166, %parallel_loop3A_167] {strides = array<i32>} : memref<128x128xf32, #tpu.memory_space<vmem>>, vector<1x16xf32>,
      %parallel_loop3A_169 = vector.shape_cast %parallel_loop3A_168 : vector<1x16xf32> to vector<16xf32>
      %parallel_loop3A_170 = arith.index_cast %parallel_loop3A_96 : i32 to index
      %parallel_loop3A_171 = arith.constant 112 : index
      %parallel_loop3A_172 = tpu.vector_load %arg10[%parallel_loop3A_170, %parallel_loop3A_171] {strides = array<i32>} : memref<128x128xf32, #tpu.memory_space<vmem>>, vector<1x16xf32>,
      %parallel_loop3A_173 = vector.shape_cast %parallel_loop3A_172 : vector<1x16xf32> to vector<16xf32>
      %parallel_loop3A_174 = arith.mulf %parallel_loop3A_169, %parallel_loop3A_173 : vector<16xf32>
      %parallel_loop3A_175 = arith.addf %parallel_loop3A_165, %parallel_loop3A_174 : vector<16xf32>
      %parallel_loop3A_176 = arith.constant 16 : i32
      %parallel_loop3A_177 = arith.muli %parallel_loop3A_96, %parallel_loop3A_176 : i32
      %parallel_loop3A_178 = arith.constant 0 : i32
      %parallel_loop3A_179 = arith.index_cast %parallel_loop3A_178 : i32 to index
      %parallel_loop3A_180 = arith.index_cast %parallel_loop3A_177 : i32 to index
      %parallel_loop3A_181 = tpu.vector_load %arg13[%parallel_loop3A_179, %parallel_loop3A_180] {strides = array<i32>} : memref<4x2048xf32, #tpu.memory_space<vmem>>, vector<1x16xf32>,
      %parallel_loop3A_182 = vector.shape_cast %parallel_loop3A_181 : vector<1x16xf32> to vector<16xf32>
      %parallel_loop3A_183 = vector.shape_cast %parallel_loop3A_175 : vector<16xf32> to vector<1x16xf32>
      tpu.vector_store %arg13[%parallel_loop3A_179, %parallel_loop3A_180], %parallel_loop3A_183 {strides = array<i32>} : memref<4x2048xf32, #tpu.memory_space<vmem>>, vector<1x16xf32>,
    } {sc.loop_unroll_factor = 8 : i64, sc.parallel_access}
    %dma_start3A_35 = arith.constant 256 : i32
    %dma_start3A_36 = tpu.memref_slice %arg7[%dma_start3A_35] : memref<512xi32, #tpu.memory_space<vmem>> -> memref<128xi32, #tpu.memory_space<vmem>>
    %dma_start3A_37 = arith.constant 0 : i32
    %dma_start3A_38 = arith.constant 0 : i32
    %dma_start3A_39 = tpu.memref_slice %arg4[%dma_start3A_37, %dma_start3A_38] : memref<1000000x128xf32, #tpu.memory_space<hbm>> -> memref<1000000x128xf32, #tpu.memory_space<hbm>>
    tpu.enqueue_indirect_dma source(%dma_start3A_39 : memref<1000000x128xf32, #tpu.memory_space<hbm>>) target(%arg9 : memref<128x128xf32, #tpu.memory_space<vmem>>) offsets(%dma_start3A_36 : memref<128xi32, #tpu.memory_space<vmem>>) semaphore(%arg14 : memref<!tpu.dma_semaphore, #tpu.memory_space<semaphore_mem>>)
    %dma_start3A_40 = arith.constant 256 : i32
    %dma_start3A_41 = tpu.memref_slice %arg8[%dma_start3A_40] : memref<512xi32, #tpu.memory_space<vmem>> -> memref<128xi32, #tpu.memory_space<vmem>>
    %dma_start3A_42 = arith.constant 0 : i32
    %dma_start3A_43 = arith.constant 0 : i32
    %dma_start3A_44 = tpu.memref_slice %arg5[%dma_start3A_42, %dma_start3A_43] : memref<1000000x128xf32, #tpu.memory_space<hbm>> -> memref<1000000x128xf32, #tpu.memory_space<hbm>>
    tpu.enqueue_indirect_dma source(%dma_start3A_44 : memref<1000000x128xf32, #tpu.memory_space<hbm>>) target(%arg10 : memref<128x128xf32, #tpu.memory_space<vmem>>) offsets(%dma_start3A_41 : memref<128xi32, #tpu.memory_space<vmem>>) semaphore(%arg15 : memref<!tpu.dma_semaphore, #tpu.memory_space<semaphore_mem>>)
    %dma_wait3A_45 = arith.constant 128 : i32
    %dma_wait3A_46 = tpu.memref_slice %arg7[%dma_wait3A_45] : memref<512xi32, #tpu.memory_space<vmem>> -> memref<128xi32, #tpu.memory_space<vmem>>
    %dma_wait3A_47 = arith.constant 0 : i32
    %dma_wait3A_48 = arith.constant 0 : i32
    %dma_wait3A_49 = tpu.memref_slice %arg4[%dma_wait3A_47, %dma_wait3A_48] : memref<1000000x128xf32, #tpu.memory_space<hbm>> -> memref<1000000x128xf32, #tpu.memory_space<hbm>>
    tpu.wait_indirect_dma semaphore(%arg16 : memref<!tpu.dma_semaphore, #tpu.memory_space<semaphore_mem>>) src(%dma_wait3A_49 : memref<1000000x128xf32, #tpu.memory_space<hbm>>) dst(%arg11 : memref<128x128xf32, #tpu.memory_space<vmem>>)
    %dma_wait3A_50 = arith.constant 128 : i32
    %dma_wait3A_51 = tpu.memref_slice %arg8[%dma_wait3A_50] : memref<512xi32, #tpu.memory_space<vmem>> -> memref<128xi32, #tpu.memory_space<vmem>>
    %dma_wait3A_52 = arith.constant 0 : i32
    %dma_wait3A_53 = arith.constant 0 : i32
    %dma_wait3A_54 = tpu.memref_slice %arg5[%dma_wait3A_52, %dma_wait3A_53] : memref<1000000x128xf32, #tpu.memory_space<hbm>> -> memref<1000000x128xf32, #tpu.memory_space<hbm>>
    tpu.wait_indirect_dma semaphore(%arg17 : memref<!tpu.dma_semaphore, #tpu.memory_space<semaphore_mem>>) src(%dma_wait3A_54 : memref<1000000x128xf32, #tpu.memory_space<hbm>>) dst(%arg12 : memref<128x128xf32, #tpu.memory_space<vmem>>)
    %parallel_loop3A_55 = arith.constant 0 : i32
    %parallel_loop3A_56 = arith.constant 128 : i32
    %parallel_loop3A_57 = arith.constant 1 : i32
    scf.for %parallel_loop3A_96 = %parallel_loop3A_55 to %parallel_loop3A_56 step %parallel_loop3A_57  : i32 {
      %parallel_loop3A_97 = arith.index_cast %parallel_loop3A_96 : i32 to index
      %parallel_loop3A_98 = arith.constant 0 : index
      %parallel_loop3A_99 = tpu.vector_load %arg11[%parallel_loop3A_97, %parallel_loop3A_98] {strides = array<i32>} : memref<128x128xf32, #tpu.memory_space<vmem>>, vector<1x16xf32>,
      %parallel_loop3A_100 = vector.shape_cast %parallel_loop3A_99 : vector<1x16xf32> to vector<16xf32>
      %parallel_loop3A_101 = arith.index_cast %parallel_loop3A_96 : i32 to index
      %parallel_loop3A_102 = arith.constant 0 : index
      %parallel_loop3A_103 = tpu.vector_load %arg12[%parallel_loop3A_101, %parallel_loop3A_102] {strides = array<i32>} : memref<128x128xf32, #tpu.memory_space<vmem>>, vector<1x16xf32>,
      %parallel_loop3A_104 = vector.shape_cast %parallel_loop3A_103 : vector<1x16xf32> to vector<16xf32>
      %parallel_loop3A_105 = arith.mulf %parallel_loop3A_100, %parallel_loop3A_104 : vector<16xf32>
      %parallel_loop3A_106 = arith.index_cast %parallel_loop3A_96 : i32 to index
      %parallel_loop3A_107 = arith.constant 16 : index
      %parallel_loop3A_108 = tpu.vector_load %arg11[%parallel_loop3A_106, %parallel_loop3A_107] {strides = array<i32>} : memref<128x128xf32, #tpu.memory_space<vmem>>, vector<1x16xf32>,
      %parallel_loop3A_109 = vector.shape_cast %parallel_loop3A_108 : vector<1x16xf32> to vector<16xf32>
      %parallel_loop3A_110 = arith.index_cast %parallel_loop3A_96 : i32 to index
      %parallel_loop3A_111 = arith.constant 16 : index
      %parallel_loop3A_112 = tpu.vector_load %arg12[%parallel_loop3A_110, %parallel_loop3A_111] {strides = array<i32>} : memref<128x128xf32, #tpu.memory_space<vmem>>, vector<1x16xf32>,
      %parallel_loop3A_113 = vector.shape_cast %parallel_loop3A_112 : vector<1x16xf32> to vector<16xf32>
      %parallel_loop3A_114 = arith.mulf %parallel_loop3A_109, %parallel_loop3A_113 : vector<16xf32>
      %parallel_loop3A_115 = arith.addf %parallel_loop3A_105, %parallel_loop3A_114 : vector<16xf32>
      %parallel_loop3A_116 = arith.index_cast %parallel_loop3A_96 : i32 to index
      %parallel_loop3A_117 = arith.constant 32 : index
      %parallel_loop3A_118 = tpu.vector_load %arg11[%parallel_loop3A_116, %parallel_loop3A_117] {strides = array<i32>} : memref<128x128xf32, #tpu.memory_space<vmem>>, vector<1x16xf32>,
      %parallel_loop3A_119 = vector.shape_cast %parallel_loop3A_118 : vector<1x16xf32> to vector<16xf32>
      %parallel_loop3A_120 = arith.index_cast %parallel_loop3A_96 : i32 to index
      %parallel_loop3A_121 = arith.constant 32 : index
      %parallel_loop3A_122 = tpu.vector_load %arg12[%parallel_loop3A_120, %parallel_loop3A_121] {strides = array<i32>} : memref<128x128xf32, #tpu.memory_space<vmem>>, vector<1x16xf32>,
      %parallel_loop3A_123 = vector.shape_cast %parallel_loop3A_122 : vector<1x16xf32> to vector<16xf32>
      %parallel_loop3A_124 = arith.mulf %parallel_loop3A_119, %parallel_loop3A_123 : vector<16xf32>
      %parallel_loop3A_125 = arith.addf %parallel_loop3A_115, %parallel_loop3A_124 : vector<16xf32>
      %parallel_loop3A_126 = arith.index_cast %parallel_loop3A_96 : i32 to index
      %parallel_loop3A_127 = arith.constant 48 : index
      %parallel_loop3A_128 = tpu.vector_load %arg11[%parallel_loop3A_126, %parallel_loop3A_127] {strides = array<i32>} : memref<128x128xf32, #tpu.memory_space<vmem>>, vector<1x16xf32>,
      %parallel_loop3A_129 = vector.shape_cast %parallel_loop3A_128 : vector<1x16xf32> to vector<16xf32>
      %parallel_loop3A_130 = arith.index_cast %parallel_loop3A_96 : i32 to index
      %parallel_loop3A_131 = arith.constant 48 : index
      %parallel_loop3A_132 = tpu.vector_load %arg12[%parallel_loop3A_130, %parallel_loop3A_131] {strides = array<i32>} : memref<128x128xf32, #tpu.memory_space<vmem>>, vector<1x16xf32>,
      %parallel_loop3A_133 = vector.shape_cast %parallel_loop3A_132 : vector<1x16xf32> to vector<16xf32>
      %parallel_loop3A_134 = arith.mulf %parallel_loop3A_129, %parallel_loop3A_133 : vector<16xf32>
      %parallel_loop3A_135 = arith.addf %parallel_loop3A_125, %parallel_loop3A_134 : vector<16xf32>
      %parallel_loop3A_136 = arith.index_cast %parallel_loop3A_96 : i32 to index
      %parallel_loop3A_137 = arith.constant 64 : index
      %parallel_loop3A_138 = tpu.vector_load %arg11[%parallel_loop3A_136, %parallel_loop3A_137] {strides = array<i32>} : memref<128x128xf32, #tpu.memory_space<vmem>>, vector<1x16xf32>,
      %parallel_loop3A_139 = vector.shape_cast %parallel_loop3A_138 : vector<1x16xf32> to vector<16xf32>
      %parallel_loop3A_140 = arith.index_cast %parallel_loop3A_96 : i32 to index
      %parallel_loop3A_141 = arith.constant 64 : index
      %parallel_loop3A_142 = tpu.vector_load %arg12[%parallel_loop3A_140, %parallel_loop3A_141] {strides = array<i32>} : memref<128x128xf32, #tpu.memory_space<vmem>>, vector<1x16xf32>,
      %parallel_loop3A_143 = vector.shape_cast %parallel_loop3A_142 : vector<1x16xf32> to vector<16xf32>
      %parallel_loop3A_144 = arith.mulf %parallel_loop3A_139, %parallel_loop3A_143 : vector<16xf32>
      %parallel_loop3A_145 = arith.addf %parallel_loop3A_135, %parallel_loop3A_144 : vector<16xf32>
      %parallel_loop3A_146 = arith.index_cast %parallel_loop3A_96 : i32 to index
      %parallel_loop3A_147 = arith.constant 80 : index
      %parallel_loop3A_148 = tpu.vector_load %arg11[%parallel_loop3A_146, %parallel_loop3A_147] {strides = array<i32>} : memref<128x128xf32, #tpu.memory_space<vmem>>, vector<1x16xf32>,
      %parallel_loop3A_149 = vector.shape_cast %parallel_loop3A_148 : vector<1x16xf32> to vector<16xf32>
      %parallel_loop3A_150 = arith.index_cast %parallel_loop3A_96 : i32 to index
      %parallel_loop3A_151 = arith.constant 80 : index
      %parallel_loop3A_152 = tpu.vector_load %arg12[%parallel_loop3A_150, %parallel_loop3A_151] {strides = array<i32>} : memref<128x128xf32, #tpu.memory_space<vmem>>, vector<1x16xf32>,
      %parallel_loop3A_153 = vector.shape_cast %parallel_loop3A_152 : vector<1x16xf32> to vector<16xf32>
      %parallel_loop3A_154 = arith.mulf %parallel_loop3A_149, %parallel_loop3A_153 : vector<16xf32>
      %parallel_loop3A_155 = arith.addf %parallel_loop3A_145, %parallel_loop3A_154 : vector<16xf32>
      %parallel_loop3A_156 = arith.index_cast %parallel_loop3A_96 : i32 to index
      %parallel_loop3A_157 = arith.constant 96 : index
      %parallel_loop3A_158 = tpu.vector_load %arg11[%parallel_loop3A_156, %parallel_loop3A_157] {strides = array<i32>} : memref<128x128xf32, #tpu.memory_space<vmem>>, vector<1x16xf32>,
      %parallel_loop3A_159 = vector.shape_cast %parallel_loop3A_158 : vector<1x16xf32> to vector<16xf32>
      %parallel_loop3A_160 = arith.index_cast %parallel_loop3A_96 : i32 to index
      %parallel_loop3A_161 = arith.constant 96 : index
      %parallel_loop3A_162 = tpu.vector_load %arg12[%parallel_loop3A_160, %parallel_loop3A_161] {strides = array<i32>} : memref<128x128xf32, #tpu.memory_space<vmem>>, vector<1x16xf32>,
      %parallel_loop3A_163 = vector.shape_cast %parallel_loop3A_162 : vector<1x16xf32> to vector<16xf32>
      %parallel_loop3A_164 = arith.mulf %parallel_loop3A_159, %parallel_loop3A_163 : vector<16xf32>
      %parallel_loop3A_165 = arith.addf %parallel_loop3A_155, %parallel_loop3A_164 : vector<16xf32>
      %parallel_loop3A_166 = arith.index_cast %parallel_loop3A_96 : i32 to index
      %parallel_loop3A_167 = arith.constant 112 : index
      %parallel_loop3A_168 = tpu.vector_load %arg11[%parallel_loop3A_166, %parallel_loop3A_167] {strides = array<i32>} : memref<128x128xf32, #tpu.memory_space<vmem>>, vector<1x16xf32>,
      %parallel_loop3A_169 = vector.shape_cast %parallel_loop3A_168 : vector<1x16xf32> to vector<16xf32>
      %parallel_loop3A_170 = arith.index_cast %parallel_loop3A_96 : i32 to index
      %parallel_loop3A_171 = arith.constant 112 : index
      %parallel_loop3A_172 = tpu.vector_load %arg12[%parallel_loop3A_170, %parallel_loop3A_171] {strides = array<i32>} : memref<128x128xf32, #tpu.memory_space<vmem>>, vector<1x16xf32>,
      %parallel_loop3A_173 = vector.shape_cast %parallel_loop3A_172 : vector<1x16xf32> to vector<16xf32>
      %parallel_loop3A_174 = arith.mulf %parallel_loop3A_169, %parallel_loop3A_173 : vector<16xf32>
      %parallel_loop3A_175 = arith.addf %parallel_loop3A_165, %parallel_loop3A_174 : vector<16xf32>
      %parallel_loop3A_176 = arith.constant 16 : i32
      %parallel_loop3A_177 = arith.muli %parallel_loop3A_96, %parallel_loop3A_176 : i32
      %parallel_loop3A_178 = arith.constant 1 : i32
      %parallel_loop3A_179 = arith.index_cast %parallel_loop3A_178 : i32 to index
      %parallel_loop3A_180 = arith.index_cast %parallel_loop3A_177 : i32 to index
      %parallel_loop3A_181 = tpu.vector_load %arg13[%parallel_loop3A_179, %parallel_loop3A_180] {strides = array<i32>} : memref<4x2048xf32, #tpu.memory_space<vmem>>, vector<1x16xf32>,
      %parallel_loop3A_182 = vector.shape_cast %parallel_loop3A_181 : vector<1x16xf32> to vector<16xf32>
      %parallel_loop3A_183 = vector.shape_cast %parallel_loop3A_175 : vector<16xf32> to vector<1x16xf32>
      tpu.vector_store %arg13[%parallel_loop3A_179, %parallel_loop3A_180], %parallel_loop3A_183 {strides = array<i32>} : memref<4x2048xf32, #tpu.memory_space<vmem>>, vector<1x16xf32>,
    } {sc.loop_unroll_factor = 8 : i64, sc.parallel_access}
    %dma_start3A_58 = arith.constant 384 : i32
    %dma_start3A_59 = tpu.memref_slice %arg7[%dma_start3A_58] : memref<512xi32, #tpu.memory_space<vmem>> -> memref<128xi32, #tpu.memory_space<vmem>>
    %dma_start3A_60 = arith.constant 0 : i32
    %dma_start3A_61 = arith.constant 0 : i32
    %dma_start3A_62 = tpu.memref_slice %arg4[%dma_start3A_60, %dma_start3A_61] : memref<1000000x128xf32, #tpu.memory_space<hbm>> -> memref<1000000x128xf32, #tpu.memory_space<hbm>>
    tpu.enqueue_indirect_dma source(%dma_start3A_62 : memref<1000000x128xf32, #tpu.memory_space<hbm>>) target(%arg11 : memref<128x128xf32, #tpu.memory_space<vmem>>) offsets(%dma_start3A_59 : memref<128xi32, #tpu.memory_space<vmem>>) semaphore(%arg16 : memref<!tpu.dma_semaphore, #tpu.memory_space<semaphore_mem>>)
    %dma_start3A_63 = arith.constant 384 : i32
    %dma_start3A_64 = tpu.memref_slice %arg8[%dma_start3A_63] : memref<512xi32, #tpu.memory_space<vmem>> -> memref<128xi32, #tpu.memory_space<vmem>>
    %dma_start3A_65 = arith.constant 0 : i32
    %dma_start3A_66 = arith.constant 0 : i32
    %dma_start3A_67 = tpu.memref_slice %arg5[%dma_start3A_65, %dma_start3A_66] : memref<1000000x128xf32, #tpu.memory_space<hbm>> -> memref<1000000x128xf32, #tpu.memory_space<hbm>>
    tpu.enqueue_indirect_dma source(%dma_start3A_67 : memref<1000000x128xf32, #tpu.memory_space<hbm>>) target(%arg12 : memref<128x128xf32, #tpu.memory_space<vmem>>) offsets(%dma_start3A_64 : memref<128xi32, #tpu.memory_space<vmem>>) semaphore(%arg17 : memref<!tpu.dma_semaphore, #tpu.memory_space<semaphore_mem>>)
    %dma_wait3A_68 = arith.constant 256 : i32
    %dma_wait3A_69 = tpu.memref_slice %arg7[%dma_wait3A_68] : memref<512xi32, #tpu.memory_space<vmem>> -> memref<128xi32, #tpu.memory_space<vmem>>
    %dma_wait3A_70 = arith.constant 0 : i32
    %dma_wait3A_71 = arith.constant 0 : i32
    %dma_wait3A_72 = tpu.memref_slice %arg4[%dma_wait3A_70, %dma_wait3A_71] : memref<1000000x128xf32, #tpu.memory_space<hbm>> -> memref<1000000x128xf32, #tpu.memory_space<hbm>>
    tpu.wait_indirect_dma semaphore(%arg14 : memref<!tpu.dma_semaphore, #tpu.memory_space<semaphore_mem>>) src(%dma_wait3A_72 : memref<1000000x128xf32, #tpu.memory_space<hbm>>) dst(%arg9 : memref<128x128xf32, #tpu.memory_space<vmem>>)
    %dma_wait3A_73 = arith.constant 256 : i32
    %dma_wait3A_74 = tpu.memref_slice %arg8[%dma_wait3A_73] : memref<512xi32, #tpu.memory_space<vmem>> -> memref<128xi32, #tpu.memory_space<vmem>>
    %dma_wait3A_75 = arith.constant 0 : i32
    %dma_wait3A_76 = arith.constant 0 : i32
    %dma_wait3A_77 = tpu.memref_slice %arg5[%dma_wait3A_75, %dma_wait3A_76] : memref<1000000x128xf32, #tpu.memory_space<hbm>> -> memref<1000000x128xf32, #tpu.memory_space<hbm>>
    tpu.wait_indirect_dma semaphore(%arg15 : memref<!tpu.dma_semaphore, #tpu.memory_space<semaphore_mem>>) src(%dma_wait3A_77 : memref<1000000x128xf32, #tpu.memory_space<hbm>>) dst(%arg10 : memref<128x128xf32, #tpu.memory_space<vmem>>)
    %parallel_loop3A_78 = arith.constant 0 : i32
    %parallel_loop3A_79 = arith.constant 128 : i32
    %parallel_loop3A_80 = arith.constant 1 : i32
    scf.for %parallel_loop3A_96 = %parallel_loop3A_78 to %parallel_loop3A_79 step %parallel_loop3A_80  : i32 {
      %parallel_loop3A_97 = arith.index_cast %parallel_loop3A_96 : i32 to index
      %parallel_loop3A_98 = arith.constant 0 : index
      %parallel_loop3A_99 = tpu.vector_load %arg9[%parallel_loop3A_97, %parallel_loop3A_98] {strides = array<i32>} : memref<128x128xf32, #tpu.memory_space<vmem>>, vector<1x16xf32>,
      %parallel_loop3A_100 = vector.shape_cast %parallel_loop3A_99 : vector<1x16xf32> to vector<16xf32>
      %parallel_loop3A_101 = arith.index_cast %parallel_loop3A_96 : i32 to index
      %parallel_loop3A_102 = arith.constant 0 : index
      %parallel_loop3A_103 = tpu.vector_load %arg10[%parallel_loop3A_101, %parallel_loop3A_102] {strides = array<i32>} : memref<128x128xf32, #tpu.memory_space<vmem>>, vector<1x16xf32>,
      %parallel_loop3A_104 = vector.shape_cast %parallel_loop3A_103 : vector<1x16xf32> to vector<16xf32>
      %parallel_loop3A_105 = arith.mulf %parallel_loop3A_100, %parallel_loop3A_104 : vector<16xf32>
      %parallel_loop3A_106 = arith.index_cast %parallel_loop3A_96 : i32 to index
      %parallel_loop3A_107 = arith.constant 16 : index
      %parallel_loop3A_108 = tpu.vector_load %arg9[%parallel_loop3A_106, %parallel_loop3A_107] {strides = array<i32>} : memref<128x128xf32, #tpu.memory_space<vmem>>, vector<1x16xf32>,
      %parallel_loop3A_109 = vector.shape_cast %parallel_loop3A_108 : vector<1x16xf32> to vector<16xf32>
      %parallel_loop3A_110 = arith.index_cast %parallel_loop3A_96 : i32 to index
      %parallel_loop3A_111 = arith.constant 16 : index
      %parallel_loop3A_112 = tpu.vector_load %arg10[%parallel_loop3A_110, %parallel_loop3A_111] {strides = array<i32>} : memref<128x128xf32, #tpu.memory_space<vmem>>, vector<1x16xf32>,
      %parallel_loop3A_113 = vector.shape_cast %parallel_loop3A_112 : vector<1x16xf32> to vector<16xf32>
      %parallel_loop3A_114 = arith.mulf %parallel_loop3A_109, %parallel_loop3A_113 : vector<16xf32>
      %parallel_loop3A_115 = arith.addf %parallel_loop3A_105, %parallel_loop3A_114 : vector<16xf32>
      %parallel_loop3A_116 = arith.index_cast %parallel_loop3A_96 : i32 to index
      %parallel_loop3A_117 = arith.constant 32 : index
      %parallel_loop3A_118 = tpu.vector_load %arg9[%parallel_loop3A_116, %parallel_loop3A_117] {strides = array<i32>} : memref<128x128xf32, #tpu.memory_space<vmem>>, vector<1x16xf32>,
      %parallel_loop3A_119 = vector.shape_cast %parallel_loop3A_118 : vector<1x16xf32> to vector<16xf32>
      %parallel_loop3A_120 = arith.index_cast %parallel_loop3A_96 : i32 to index
      %parallel_loop3A_121 = arith.constant 32 : index
      %parallel_loop3A_122 = tpu.vector_load %arg10[%parallel_loop3A_120, %parallel_loop3A_121] {strides = array<i32>} : memref<128x128xf32, #tpu.memory_space<vmem>>, vector<1x16xf32>,
      %parallel_loop3A_123 = vector.shape_cast %parallel_loop3A_122 : vector<1x16xf32> to vector<16xf32>
      %parallel_loop3A_124 = arith.mulf %parallel_loop3A_119, %parallel_loop3A_123 : vector<16xf32>
      %parallel_loop3A_125 = arith.addf %parallel_loop3A_115, %parallel_loop3A_124 : vector<16xf32>
      %parallel_loop3A_126 = arith.index_cast %parallel_loop3A_96 : i32 to index
      %parallel_loop3A_127 = arith.constant 48 : index
      %parallel_loop3A_128 = tpu.vector_load %arg9[%parallel_loop3A_126, %parallel_loop3A_127] {strides = array<i32>} : memref<128x128xf32, #tpu.memory_space<vmem>>, vector<1x16xf32>,
      %parallel_loop3A_129 = vector.shape_cast %parallel_loop3A_128 : vector<1x16xf32> to vector<16xf32>
      %parallel_loop3A_130 = arith.index_cast %parallel_loop3A_96 : i32 to index
      %parallel_loop3A_131 = arith.constant 48 : index
      %parallel_loop3A_132 = tpu.vector_load %arg10[%parallel_loop3A_130, %parallel_loop3A_131] {strides = array<i32>} : memref<128x128xf32, #tpu.memory_space<vmem>>, vector<1x16xf32>,
      %parallel_loop3A_133 = vector.shape_cast %parallel_loop3A_132 : vector<1x16xf32> to vector<16xf32>
      %parallel_loop3A_134 = arith.mulf %parallel_loop3A_129, %parallel_loop3A_133 : vector<16xf32>
      %parallel_loop3A_135 = arith.addf %parallel_loop3A_125, %parallel_loop3A_134 : vector<16xf32>
      %parallel_loop3A_136 = arith.index_cast %parallel_loop3A_96 : i32 to index
      %parallel_loop3A_137 = arith.constant 64 : index
      %parallel_loop3A_138 = tpu.vector_load %arg9[%parallel_loop3A_136, %parallel_loop3A_137] {strides = array<i32>} : memref<128x128xf32, #tpu.memory_space<vmem>>, vector<1x16xf32>,
      %parallel_loop3A_139 = vector.shape_cast %parallel_loop3A_138 : vector<1x16xf32> to vector<16xf32>
      %parallel_loop3A_140 = arith.index_cast %parallel_loop3A_96 : i32 to index
      %parallel_loop3A_141 = arith.constant 64 : index
      %parallel_loop3A_142 = tpu.vector_load %arg10[%parallel_loop3A_140, %parallel_loop3A_141] {strides = array<i32>} : memref<128x128xf32, #tpu.memory_space<vmem>>, vector<1x16xf32>,
      %parallel_loop3A_143 = vector.shape_cast %parallel_loop3A_142 : vector<1x16xf32> to vector<16xf32>
      %parallel_loop3A_144 = arith.mulf %parallel_loop3A_139, %parallel_loop3A_143 : vector<16xf32>
      %parallel_loop3A_145 = arith.addf %parallel_loop3A_135, %parallel_loop3A_144 : vector<16xf32>
      %parallel_loop3A_146 = arith.index_cast %parallel_loop3A_96 : i32 to index
      %parallel_loop3A_147 = arith.constant 80 : index
      %parallel_loop3A_148 = tpu.vector_load %arg9[%parallel_loop3A_146, %parallel_loop3A_147] {strides = array<i32>} : memref<128x128xf32, #tpu.memory_space<vmem>>, vector<1x16xf32>,
      %parallel_loop3A_149 = vector.shape_cast %parallel_loop3A_148 : vector<1x16xf32> to vector<16xf32>
      %parallel_loop3A_150 = arith.index_cast %parallel_loop3A_96 : i32 to index
      %parallel_loop3A_151 = arith.constant 80 : index
      %parallel_loop3A_152 = tpu.vector_load %arg10[%parallel_loop3A_150, %parallel_loop3A_151] {strides = array<i32>} : memref<128x128xf32, #tpu.memory_space<vmem>>, vector<1x16xf32>,
      %parallel_loop3A_153 = vector.shape_cast %parallel_loop3A_152 : vector<1x16xf32> to vector<16xf32>
      %parallel_loop3A_154 = arith.mulf %parallel_loop3A_149, %parallel_loop3A_153 : vector<16xf32>
      %parallel_loop3A_155 = arith.addf %parallel_loop3A_145, %parallel_loop3A_154 : vector<16xf32>
      %parallel_loop3A_156 = arith.index_cast %parallel_loop3A_96 : i32 to index
      %parallel_loop3A_157 = arith.constant 96 : index
      %parallel_loop3A_158 = tpu.vector_load %arg9[%parallel_loop3A_156, %parallel_loop3A_157] {strides = array<i32>} : memref<128x128xf32, #tpu.memory_space<vmem>>, vector<1x16xf32>,
      %parallel_loop3A_159 = vector.shape_cast %parallel_loop3A_158 : vector<1x16xf32> to vector<16xf32>
      %parallel_loop3A_160 = arith.index_cast %parallel_loop3A_96 : i32 to index
      %parallel_loop3A_161 = arith.constant 96 : index
      %parallel_loop3A_162 = tpu.vector_load %arg10[%parallel_loop3A_160, %parallel_loop3A_161] {strides = array<i32>} : memref<128x128xf32, #tpu.memory_space<vmem>>, vector<1x16xf32>,
      %parallel_loop3A_163 = vector.shape_cast %parallel_loop3A_162 : vector<1x16xf32> to vector<16xf32>
      %parallel_loop3A_164 = arith.mulf %parallel_loop3A_159, %parallel_loop3A_163 : vector<16xf32>
      %parallel_loop3A_165 = arith.addf %parallel_loop3A_155, %parallel_loop3A_164 : vector<16xf32>
      %parallel_loop3A_166 = arith.index_cast %parallel_loop3A_96 : i32 to index
      %parallel_loop3A_167 = arith.constant 112 : index
      %parallel_loop3A_168 = tpu.vector_load %arg9[%parallel_loop3A_166, %parallel_loop3A_167] {strides = array<i32>} : memref<128x128xf32, #tpu.memory_space<vmem>>, vector<1x16xf32>,
      %parallel_loop3A_169 = vector.shape_cast %parallel_loop3A_168 : vector<1x16xf32> to vector<16xf32>
      %parallel_loop3A_170 = arith.index_cast %parallel_loop3A_96 : i32 to index
      %parallel_loop3A_171 = arith.constant 112 : index
      %parallel_loop3A_172 = tpu.vector_load %arg10[%parallel_loop3A_170, %parallel_loop3A_171] {strides = array<i32>} : memref<128x128xf32, #tpu.memory_space<vmem>>, vector<1x16xf32>,
      %parallel_loop3A_173 = vector.shape_cast %parallel_loop3A_172 : vector<1x16xf32> to vector<16xf32>
      %parallel_loop3A_174 = arith.mulf %parallel_loop3A_169, %parallel_loop3A_173 : vector<16xf32>
      %parallel_loop3A_175 = arith.addf %parallel_loop3A_165, %parallel_loop3A_174 : vector<16xf32>
      %parallel_loop3A_176 = arith.constant 16 : i32
      %parallel_loop3A_177 = arith.muli %parallel_loop3A_96, %parallel_loop3A_176 : i32
      %parallel_loop3A_178 = arith.constant 2 : i32
      %parallel_loop3A_179 = arith.index_cast %parallel_loop3A_178 : i32 to index
      %parallel_loop3A_180 = arith.index_cast %parallel_loop3A_177 : i32 to index
      %parallel_loop3A_181 = tpu.vector_load %arg13[%parallel_loop3A_179, %parallel_loop3A_180] {strides = array<i32>} : memref<4x2048xf32, #tpu.memory_space<vmem>>, vector<1x16xf32>,
      %parallel_loop3A_182 = vector.shape_cast %parallel_loop3A_181 : vector<1x16xf32> to vector<16xf32>
      %parallel_loop3A_183 = vector.shape_cast %parallel_loop3A_175 : vector<16xf32> to vector<1x16xf32>
      tpu.vector_store %arg13[%parallel_loop3A_179, %parallel_loop3A_180], %parallel_loop3A_183 {strides = array<i32>} : memref<4x2048xf32, #tpu.memory_space<vmem>>, vector<1x16xf32>,
    } {sc.loop_unroll_factor = 8 : i64, sc.parallel_access}
    %dma_wait3A_81 = arith.constant 384 : i32
    %dma_wait3A_82 = tpu.memref_slice %arg7[%dma_wait3A_81] : memref<512xi32, #tpu.memory_space<vmem>> -> memref<128xi32, #tpu.memory_space<vmem>>
    %dma_wait3A_83 = arith.constant 0 : i32
    %dma_wait3A_84 = arith.constant 0 : i32
    %dma_wait3A_85 = tpu.memref_slice %arg4[%dma_wait3A_83, %dma_wait3A_84] : memref<1000000x128xf32, #tpu.memory_space<hbm>> -> memref<1000000x128xf32, #tpu.memory_space<hbm>>
    tpu.wait_indirect_dma semaphore(%arg16 : memref<!tpu.dma_semaphore, #tpu.memory_space<semaphore_mem>>) src(%dma_wait3A_85 : memref<1000000x128xf32, #tpu.memory_space<hbm>>) dst(%arg11 : memref<128x128xf32, #tpu.memory_space<vmem>>)
    %dma_wait3A_86 = arith.constant 384 : i32
    %dma_wait3A_87 = tpu.memref_slice %arg8[%dma_wait3A_86] : memref<512xi32, #tpu.memory_space<vmem>> -> memref<128xi32, #tpu.memory_space<vmem>>
    %dma_wait3A_88 = arith.constant 0 : i32
    %dma_wait3A_89 = arith.constant 0 : i32
    %dma_wait3A_90 = tpu.memref_slice %arg5[%dma_wait3A_88, %dma_wait3A_89] : memref<1000000x128xf32, #tpu.memory_space<hbm>> -> memref<1000000x128xf32, #tpu.memory_space<hbm>>
    tpu.wait_indirect_dma semaphore(%arg17 : memref<!tpu.dma_semaphore, #tpu.memory_space<semaphore_mem>>) src(%dma_wait3A_90 : memref<1000000x128xf32, #tpu.memory_space<hbm>>) dst(%arg12 : memref<128x128xf32, #tpu.memory_space<vmem>>)
    %parallel_loop3A_91 = arith.constant 0 : i32
    %parallel_loop3A_92 = arith.constant 128 : i32
    %parallel_loop3A_93 = arith.constant 1 : i32
    scf.for %parallel_loop3A_96 = %parallel_loop3A_91 to %parallel_loop3A_92 step %parallel_loop3A_93  : i32 {
      %parallel_loop3A_97 = arith.index_cast %parallel_loop3A_96 : i32 to index
      %parallel_loop3A_98 = arith.constant 0 : index
      %parallel_loop3A_99 = tpu.vector_load %arg11[%parallel_loop3A_97, %parallel_loop3A_98] {strides = array<i32>} : memref<128x128xf32, #tpu.memory_space<vmem>>, vector<1x16xf32>,
      %parallel_loop3A_100 = vector.shape_cast %parallel_loop3A_99 : vector<1x16xf32> to vector<16xf32>
      %parallel_loop3A_101 = arith.index_cast %parallel_loop3A_96 : i32 to index
      %parallel_loop3A_102 = arith.constant 0 : index
      %parallel_loop3A_103 = tpu.vector_load %arg12[%parallel_loop3A_101, %parallel_loop3A_102] {strides = array<i32>} : memref<128x128xf32, #tpu.memory_space<vmem>>, vector<1x16xf32>,
      %parallel_loop3A_104 = vector.shape_cast %parallel_loop3A_103 : vector<1x16xf32> to vector<16xf32>
      %parallel_loop3A_105 = arith.mulf %parallel_loop3A_100, %parallel_loop3A_104 : vector<16xf32>
      %parallel_loop3A_106 = arith.index_cast %parallel_loop3A_96 : i32 to index
      %parallel_loop3A_107 = arith.constant 16 : index
      %parallel_loop3A_108 = tpu.vector_load %arg11[%parallel_loop3A_106, %parallel_loop3A_107] {strides = array<i32>} : memref<128x128xf32, #tpu.memory_space<vmem>>, vector<1x16xf32>,
      %parallel_loop3A_109 = vector.shape_cast %parallel_loop3A_108 : vector<1x16xf32> to vector<16xf32>
      %parallel_loop3A_110 = arith.index_cast %parallel_loop3A_96 : i32 to index
      %parallel_loop3A_111 = arith.constant 16 : index
      %parallel_loop3A_112 = tpu.vector_load %arg12[%parallel_loop3A_110, %parallel_loop3A_111] {strides = array<i32>} : memref<128x128xf32, #tpu.memory_space<vmem>>, vector<1x16xf32>,
      %parallel_loop3A_113 = vector.shape_cast %parallel_loop3A_112 : vector<1x16xf32> to vector<16xf32>
      %parallel_loop3A_114 = arith.mulf %parallel_loop3A_109, %parallel_loop3A_113 : vector<16xf32>
      %parallel_loop3A_115 = arith.addf %parallel_loop3A_105, %parallel_loop3A_114 : vector<16xf32>
      %parallel_loop3A_116 = arith.index_cast %parallel_loop3A_96 : i32 to index
      %parallel_loop3A_117 = arith.constant 32 : index
      %parallel_loop3A_118 = tpu.vector_load %arg11[%parallel_loop3A_116, %parallel_loop3A_117] {strides = array<i32>} : memref<128x128xf32, #tpu.memory_space<vmem>>, vector<1x16xf32>,
      %parallel_loop3A_119 = vector.shape_cast %parallel_loop3A_118 : vector<1x16xf32> to vector<16xf32>
      %parallel_loop3A_120 = arith.index_cast %parallel_loop3A_96 : i32 to index
      %parallel_loop3A_121 = arith.constant 32 : index
      %parallel_loop3A_122 = tpu.vector_load %arg12[%parallel_loop3A_120, %parallel_loop3A_121] {strides = array<i32>} : memref<128x128xf32, #tpu.memory_space<vmem>>, vector<1x16xf32>,
      %parallel_loop3A_123 = vector.shape_cast %parallel_loop3A_122 : vector<1x16xf32> to vector<16xf32>
      %parallel_loop3A_124 = arith.mulf %parallel_loop3A_119, %parallel_loop3A_123 : vector<16xf32>
      %parallel_loop3A_125 = arith.addf %parallel_loop3A_115, %parallel_loop3A_124 : vector<16xf32>
      %parallel_loop3A_126 = arith.index_cast %parallel_loop3A_96 : i32 to index
      %parallel_loop3A_127 = arith.constant 48 : index
      %parallel_loop3A_128 = tpu.vector_load %arg11[%parallel_loop3A_126, %parallel_loop3A_127] {strides = array<i32>} : memref<128x128xf32, #tpu.memory_space<vmem>>, vector<1x16xf32>,
      %parallel_loop3A_129 = vector.shape_cast %parallel_loop3A_128 : vector<1x16xf32> to vector<16xf32>
      %parallel_loop3A_130 = arith.index_cast %parallel_loop3A_96 : i32 to index
      %parallel_loop3A_131 = arith.constant 48 : index
      %parallel_loop3A_132 = tpu.vector_load %arg12[%parallel_loop3A_130, %parallel_loop3A_131] {strides = array<i32>} : memref<128x128xf32, #tpu.memory_space<vmem>>, vector<1x16xf32>,
      %parallel_loop3A_133 = vector.shape_cast %parallel_loop3A_132 : vector<1x16xf32> to vector<16xf32>
      %parallel_loop3A_134 = arith.mulf %parallel_loop3A_129, %parallel_loop3A_133 : vector<16xf32>
      %parallel_loop3A_135 = arith.addf %parallel_loop3A_125, %parallel_loop3A_134 : vector<16xf32>
      %parallel_loop3A_136 = arith.index_cast %parallel_loop3A_96 : i32 to index
      %parallel_loop3A_137 = arith.constant 64 : index
      %parallel_loop3A_138 = tpu.vector_load %arg11[%parallel_loop3A_136, %parallel_loop3A_137] {strides = array<i32>} : memref<128x128xf32, #tpu.memory_space<vmem>>, vector<1x16xf32>,
      %parallel_loop3A_139 = vector.shape_cast %parallel_loop3A_138 : vector<1x16xf32> to vector<16xf32>
      %parallel_loop3A_140 = arith.index_cast %parallel_loop3A_96 : i32 to index
      %parallel_loop3A_141 = arith.constant 64 : index
      %parallel_loop3A_142 = tpu.vector_load %arg12[%parallel_loop3A_140, %parallel_loop3A_141] {strides = array<i32>} : memref<128x128xf32, #tpu.memory_space<vmem>>, vector<1x16xf32>,
      %parallel_loop3A_143 = vector.shape_cast %parallel_loop3A_142 : vector<1x16xf32> to vector<16xf32>
      %parallel_loop3A_144 = arith.mulf %parallel_loop3A_139, %parallel_loop3A_143 : vector<16xf32>
      %parallel_loop3A_145 = arith.addf %parallel_loop3A_135, %parallel_loop3A_144 : vector<16xf32>
      %parallel_loop3A_146 = arith.index_cast %parallel_loop3A_96 : i32 to index
      %parallel_loop3A_147 = arith.constant 80 : index
      %parallel_loop3A_148 = tpu.vector_load %arg11[%parallel_loop3A_146, %parallel_loop3A_147] {strides = array<i32>} : memref<128x128xf32, #tpu.memory_space<vmem>>, vector<1x16xf32>,
      %parallel_loop3A_149 = vector.shape_cast %parallel_loop3A_148 : vector<1x16xf32> to vector<16xf32>
      %parallel_loop3A_150 = arith.index_cast %parallel_loop3A_96 : i32 to index
      %parallel_loop3A_151 = arith.constant 80 : index
      %parallel_loop3A_152 = tpu.vector_load %arg12[%parallel_loop3A_150, %parallel_loop3A_151] {strides = array<i32>} : memref<128x128xf32, #tpu.memory_space<vmem>>, vector<1x16xf32>,
      %parallel_loop3A_153 = vector.shape_cast %parallel_loop3A_152 : vector<1x16xf32> to vector<16xf32>
      %parallel_loop3A_154 = arith.mulf %parallel_loop3A_149, %parallel_loop3A_153 : vector<16xf32>
      %parallel_loop3A_155 = arith.addf %parallel_loop3A_145, %parallel_loop3A_154 : vector<16xf32>
      %parallel_loop3A_156 = arith.index_cast %parallel_loop3A_96 : i32 to index
      %parallel_loop3A_157 = arith.constant 96 : index
      %parallel_loop3A_158 = tpu.vector_load %arg11[%parallel_loop3A_156, %parallel_loop3A_157] {strides = array<i32>} : memref<128x128xf32, #tpu.memory_space<vmem>>, vector<1x16xf32>,
      %parallel_loop3A_159 = vector.shape_cast %parallel_loop3A_158 : vector<1x16xf32> to vector<16xf32>
      %parallel_loop3A_160 = arith.index_cast %parallel_loop3A_96 : i32 to index
      %parallel_loop3A_161 = arith.constant 96 : index
      %parallel_loop3A_162 = tpu.vector_load %arg12[%parallel_loop3A_160, %parallel_loop3A_161] {strides = array<i32>} : memref<128x128xf32, #tpu.memory_space<vmem>>, vector<1x16xf32>,
      %parallel_loop3A_163 = vector.shape_cast %parallel_loop3A_162 : vector<1x16xf32> to vector<16xf32>
      %parallel_loop3A_164 = arith.mulf %parallel_loop3A_159, %parallel_loop3A_163 : vector<16xf32>
      %parallel_loop3A_165 = arith.addf %parallel_loop3A_155, %parallel_loop3A_164 : vector<16xf32>
      %parallel_loop3A_166 = arith.index_cast %parallel_loop3A_96 : i32 to index
      %parallel_loop3A_167 = arith.constant 112 : index
      %parallel_loop3A_168 = tpu.vector_load %arg11[%parallel_loop3A_166, %parallel_loop3A_167] {strides = array<i32>} : memref<128x128xf32, #tpu.memory_space<vmem>>, vector<1x16xf32>,
      %parallel_loop3A_169 = vector.shape_cast %parallel_loop3A_168 : vector<1x16xf32> to vector<16xf32>
      %parallel_loop3A_170 = arith.index_cast %parallel_loop3A_96 : i32 to index
      %parallel_loop3A_171 = arith.constant 112 : index
      %parallel_loop3A_172 = tpu.vector_load %arg12[%parallel_loop3A_170, %parallel_loop3A_171] {strides = array<i32>} : memref<128x128xf32, #tpu.memory_space<vmem>>, vector<1x16xf32>,
      %parallel_loop3A_173 = vector.shape_cast %parallel_loop3A_172 : vector<1x16xf32> to vector<16xf32>
      %parallel_loop3A_174 = arith.mulf %parallel_loop3A_169, %parallel_loop3A_173 : vector<16xf32>
      %parallel_loop3A_175 = arith.addf %parallel_loop3A_165, %parallel_loop3A_174 : vector<16xf32>
      %parallel_loop3A_176 = arith.constant 16 : i32
      %parallel_loop3A_177 = arith.muli %parallel_loop3A_96, %parallel_loop3A_176 : i32
      %parallel_loop3A_178 = arith.constant 3 : i32
      %parallel_loop3A_179 = arith.index_cast %parallel_loop3A_178 : i32 to index
      %parallel_loop3A_180 = arith.index_cast %parallel_loop3A_177 : i32 to index
      %parallel_loop3A_181 = tpu.vector_load %arg13[%parallel_loop3A_179, %parallel_loop3A_180] {strides = array<i32>} : memref<4x2048xf32, #tpu.memory_space<vmem>>, vector<1x16xf32>,
      %parallel_loop3A_182 = vector.shape_cast %parallel_loop3A_181 : vector<1x16xf32> to vector<16xf32>
      %parallel_loop3A_183 = vector.shape_cast %parallel_loop3A_175 : vector<16xf32> to vector<1x16xf32>
      tpu.vector_store %arg13[%parallel_loop3A_179, %parallel_loop3A_180], %parallel_loop3A_183 {strides = array<i32>} : memref<4x2048xf32, #tpu.memory_space<vmem>>, vector<1x16xf32>,
    } {sc.loop_unroll_factor = 8 : i64, sc.parallel_access}
    %mul3A_94 = arith.constant 4 : i32
    %mul3A_95 = arith.muli %add3A, %mul3A_94 : i32
    "tpu.region"() ({
      %run_scoped3A = tpu.sem_alloc : memref<!tpu.dma_semaphore, #tpu.memory_space<semaphore_mem>>
      %dma_start3A_96 = arith.constant 0 : i32
      %dma_start3A_97 = tpu.memref_slice %arg6[%mul3A_95, %dma_start3A_96] : memref<128x2048xf32, #tpu.memory_space<hbm>> -> memref<4x2048xf32, #tpu.memory_space<hbm>>
      %dma_start3A_98 = arith.constant 0 : i32
      %dma_start3A_99 = tpu.memref_slice %arg6[%mul3A_95, %dma_start3A_98] : memref<128x2048xf32, #tpu.memory_space<hbm>> -> memref<4x2048xf32, #tpu.memory_space<hbm>>
      tpu.enqueue_dma source(%arg13 : memref<4x2048xf32, #tpu.memory_space<vmem>>) target(%dma_start3A_99 : memref<4x2048xf32, #tpu.memory_space<hbm>>) target_semaphore(%run_scoped3A : memref<!tpu.dma_semaphore, #tpu.memory_space<semaphore_mem>>)
      %dma_wait3A_100 = arith.constant 0 : i32
      %dma_wait3A_101 = tpu.memref_slice %arg6[%mul3A_95, %dma_wait3A_100] : memref<128x2048xf32, #tpu.memory_space<hbm>> -> memref<4x2048xf32, #tpu.memory_space<hbm>>
      %dma_wait3A_102 = arith.constant 0 : i32
      %dma_wait3A_103 = tpu.memref_slice %arg6[%mul3A_95, %dma_wait3A_102] : memref<128x2048xf32, #tpu.memory_space<hbm>> -> memref<4x2048xf32, #tpu.memory_space<hbm>>
      tpu.wait_dma2 semaphore(%run_scoped3A : memref<!tpu.dma_semaphore, #tpu.memory_space<semaphore_mem>>) src(%arg13 : memref<4x2048xf32, #tpu.memory_space<vmem>>) dst(%dma_wait3A_103 : memref<4x2048xf32, #tpu.memory_space<hbm>>)
      tpu.yield
    }) : () -> ()
    return
  }
}

module attributes {stable_mosaic.version = 14 : i64} {
  func.func @_reduce_body(%arg0: memref<128x2048xf32, #tpu.memory_space<vmem>>, %arg1: memref<2048x128xf32, #tpu.memory_space<vmem>>, %arg2: memref<128x128xf32, #tpu.memory_space<vmem>>) attributes {dimension_semantics = [], scalar_prefetch = 0 : i64, scratch_operands = 0 : i64, tpu.core_type = #tpu.core_type<tc>} {
    %get3A = arith.constant 0 : index
    %get3A_0 = arith.constant 0 : index
    %get3A_1 = vector.load %arg0[%get3A, %get3A_0] : memref<128x2048xf32, #tpu.memory_space<vmem>>, vector<128x2048xf32>
    %get3A_2 = arith.constant 0 : index
    %get3A_3 = arith.constant 0 : index
    %get3A_4 = vector.load %arg1[%get3A_2, %get3A_3] : memref<2048x128xf32, #tpu.memory_space<vmem>>, vector<2048x128xf32>
    %dot_general3A = arith.constant dense<0.000000e+00> : vector<128x128xf32>
    %dot_general3A_5 = tpu.matmul %get3A_1, %get3A_4, %dot_general3A {dimension_numbers = #tpu.dot_dimension_numbers<[1], [0], [0], [1], [0, 0, 1, 1], [], []>, transpose_lhs_hint = false} : vector<128x2048xf32>, vector<2048x128xf32>, vector<128x128xf32> -> vector<128x128xf32>
    %logistic3A = arith.negf %dot_general3A_5 : vector<128x128xf32>
    %logistic3A_6 = math.exp %logistic3A : vector<128x128xf32>
    %logistic3A_7 = arith.constant 1.000000e+00 : f32
    %logistic3A_8 = vector.broadcast %logistic3A_7 : f32 to vector<128x128xf32>
    %logistic3A_9 = arith.addf %logistic3A_8, %logistic3A_6 : vector<128x128xf32>
    %logistic3A_10 = arith.divf %logistic3A_8, %logistic3A_9 : vector<128x128xf32>
    %swap3A = arith.constant 0 : index
    %swap3A_11 = arith.constant 0 : index
    %swap3A_12 = vector.load %arg2[%swap3A, %swap3A_11] : memref<128x128xf32, #tpu.memory_space<vmem>>, vector<128x128xf32>
    tpu.vector_store %arg2[%swap3A, %swap3A_11], %logistic3A_10 {strides = array<i32>} : memref<128x128xf32, #tpu.memory_space<vmem>>, vector<128x128xf32>,
    return
  }
}

</mosaic_0001>

<sc_bundles>
// kernel: _skipgram.4.cloned.1.call-start
scs
__scs_entry_jumppad:
0x0: {  	(pc) =	sbr.rel $0x88, $3  }
0x1: {  	(tag) =	ssettag $0x0;
	lr =	simm.s32 $0x1  }
0x2: {  	[smem:$0x3F9D] =	sst lr;
	_ =	strace $0xD0000000  }
0x3: {  	_ = 	snop  }
0x4: {  	_ = 	snop  }
0x5: {  	_ = 	snop  }
0x6: {  	_ = 	snop  }
0x7: {  	_ = 	snop  }
__scs_overlays_trampoline_lowered:
0x8: {  	[smem:$0x3FAC] =	sst s0  }
0x9: {  	[smem:$0x3FAD] =	sst s1  }
0xa: {  	[smem:$0x3FAE] =	sst s2  }
0xb: {  	[smem:$0x3FAF] =	sst s3  }
0xc: {  	[smem:$0x3FB0] =	sst s4  }
0xd: {  	[smem:$0x3FB1] =	sst s5  }
0xe: {  	[smem:$0x3FB2] =	sst s6  }
0xf: {  	[smem:$0x3FB3] =	sst s7  }
0x10: {  	[smem:$0x3FB4] =	sst s8  }
0x11: {  	[smem:$0x3FB5] =	sst s9;
	s0 =	simm.s32 @!p0 $0x0  }
0x12: {  	s1 =	sld [smem:$0x3F9B];
	s0 =	simm.s32 @p0 $0x1  }
0x13: {  	[smem:$0x3FB6] =	sst s0;
	s0 =	simm.s32 @!p1 $0x0  }
0x14: {  	s2 =	sld [smem:$0x3F9A];
	s0 =	simm.s32 @p1 $0x1  }
0x15: {  	[smem:$0x3FB7] =	sst s0;
	s0 =	simm.s32 @!p2 $0x0  }
0x16: {  	s3 =	sld [smem:$0x3FDB];
	s0 =	simm.s32 @p2 $0x1  }
0x17: {  	s4 =	simm.s32 $0x1BF5;
	[smem:$0x3FB9] =	sst s0  }
0x18: {  	s0 =	sld [smem:$0x3F9C];
	_ =	swait.ge [sflag:s4], $0x0  }
0x19: {  	s7 =	sld [smem:$0x3F9D]  }
0x1a: {  	s8 =	sadd.s32 $0xFFFFE003, lr  }
0x1b: {  	s9 =	sadd.s32 $0xFFFFFEF7, lr;
	s5 =	simm.s32 $0xFFFFFFFF;
	p2 =	slt.u32 s8, $0xFFFFF086  }
0x1c: {  	p1 =	slt.u32 s9, $0xF7A;
	s5 =	simm.s32 @!p2 $0x0  }
0x1d: {  	s5 =	simm.s32 @p1 $0x1;
	p0 =	seq.s32 s7, s2  }
0x1e: {  	s7 =	smul.u32 @!p0 $0xF7A, s2;
	p2 =	seq.s32 @!p0 s5, $0x0  }
0x1f: {  	s9 =	smul.u32 $0xF7A, s1;
	s8 =	simm.s32 @!p0 $0x1BF5;
	p2 =	por !p2, p0  }
0x20: {  	[sflag:s8] =	ssyncset.s32 @!p0 $0xFFFFF086;
	s6 =	sadd.s32 @!p0 s3, s7;
	s7 =	simm.s32 @!p0 $0x108  }
0x21: {  	s3 =	sadd.s32 s3, s9;
	s6 =	sadd.s32 @!p0 $0x88, s6;
	s7 =	simm.s32 @p2 $0x1082  }
0x22: {  	[simem:s7], [sflag:s8] =	dma.local @!p0 [hbm:s6], $0xF7A  }
0x23: {  	s9 =	sor.u32 $0xD0000000, s2;
	s6 =	simm.s32 $0x108;
	_ =	swait.ge @!p0 [sflag:s8], $0x0  }
0x24: {  	s3 =	sadd.s32 $0x88, s3;
	s6 =	simm.s32 @!p1 $0x1082;
	[sflag:s4] =	ssyncset.s32 $0xFFFFF086  }
0x25: {  	[simem:s6], [sflag:s4] =	dma.local [hbm:s3], $0xF7A  }
0x26: {  	[smem:$0x3F9D] =	sst s1;
	(tag) =	ssettag s2;
	_ =	strace s9  }
0x27: {  	s1 =	sld [smem:$0x3FAD]  }
0x28: {  	s2 =	sld [smem:$0x3FAE]  }
0x29: {  	s4 =	sld [smem:$0x3FB0]  }
0x2a: {  	p0 =	seq.s32 s5, $0x0;
	s5 =	sld [smem:$0x3FB1]  }
0x2b: {  	s6 =	sld [smem:$0x3FB2]  }
0x2c: {  	s7 =	sld [smem:$0x3FB3]  }
0x2d: {  	s3 =	simm.s32 $0x108;
	s8 =	sld [smem:$0x3FB4]  }
0x2e: {  	s3 =	simm.s32 @!p0 $0x1082;
	s9 =	sld [smem:$0x3FB5]  }
0x2f: {  	lr =	sadd.s32 s0, s3;
	s0 =	sld [smem:$0x3FAC]  }
0x30: {  	s3 =	sld [smem:$0x3FAF]  }
0x31: {  	[smem:$0x3FB8] =	sst s10  }
0x32: {  	s10 =	sld [smem:$0x3FB6];
	_ =	sdelay $0x3  }
0x33: {  	p0 =	seq.s32 s10, $0x1;
	s10 =	sld [smem:$0x3FB8];
	_ =	sdelay $0x3  }
0x34: {  	[smem:$0x3FB8] =	sst s10  }
0x35: {  	s10 =	sld [smem:$0x3FB7];
	_ =	sdelay $0x3  }
0x36: {  	p1 =	seq.s32 s10, $0x1;
	s10 =	sld [smem:$0x3FB8];
	_ =	sdelay $0x3  }
0x37: {  	[smem:$0x3FB8] =	sst s10  }
0x38: {  	s10 =	sld [smem:$0x3FB9]  }
0x39: {  	_ = 	snop;
	(pc) =	sbr.ind lr, $3  }
0x3a: {  	_ = 	snop  }
0x3b: {  	_ = 	snop  }
0x3c: {  	p2 =	seq.s32 s10, $0x1;
	s10 =	sld [smem:$0x3FB8]  }
0x3d: {  	_ =	shalt  }
0x3e: {  	_ =	shalt  }
0x3f: {  	_ =	shalt  }
0x40: {  	_ =	shalt  }
0x41: {  	_ =	shalt  }
0x42: {  	_ =	shalt  }
0x43: {  	_ =	shalt  }
0x44: {  	_ =	shalt  }
0x45: {  	_ =	shalt  }
0x46: {  	_ =	shalt  }
0x47: {  	_ =	shalt  }
0x48: {  	_ =	shalt  }
0x49: {  	_ =	shalt  }
0x4a: {  	_ =	shalt  }
0x4b: {  	_ =	shalt  }
0x4c: {  	_ =	shalt  }
0x4d: {  	_ =	shalt  }
0x4e: {  	_ =	shalt  }
0x4f: {  	_ =	shalt  }
0x50: {  	_ =	shalt  }
0x51: {  	_ =	shalt  }
0x52: {  	_ =	shalt  }
0x53: {  	_ =	shalt  }
0x54: {  	_ =	shalt  }
0x55: {  	_ =	shalt  }
0x56: {  	_ =	shalt  }
0x57: {  	_ =	shalt  }
0x58: {  	_ =	shalt  }
0x59: {  	_ =	shalt  }
0x5a: {  	_ =	shalt  }
0x5b: {  	_ =	shalt  }
0x5c: {  	_ =	shalt  }
0x5d: {  	_ =	shalt  }
0x5e: {  	_ =	shalt  }
0x5f: {  	_ =	shalt  }
0x60: {  	_ =	shalt  }
0x61: {  	_ =	shalt  }
0x62: {  	_ =	shalt  }
0x63: {  	_ =	shalt  }
0x64: {  	_ =	shalt  }
0x65: {  	_ =	shalt  }
0x66: {  	_ =	shalt  }
0x67: {  	_ =	shalt  }
0x68: {  	_ =	shalt  }
0x69: {  	_ =	shalt  }
0x6a: {  	_ =	shalt  }
0x6b: {  	_ =	shalt  }
0x6c: {  	_ =	shalt  }
0x6d: {  	_ =	shalt  }
0x6e: {  	_ =	shalt  }
0x6f: {  	_ =	shalt  }
0x70: {  	_ =	shalt  }
0x71: {  	_ =	shalt  }
0x72: {  	_ =	shalt  }
0x73: {  	_ =	shalt  }
0x74: {  	_ =	shalt  }
0x75: {  	_ =	shalt  }
0x76: {  	_ =	shalt  }
0x77: {  	_ =	shalt  }
0x78: {  	_ =	shalt  }
0x79: {  	_ =	shalt  }
0x7a: {  	_ =	shalt  }
0x7b: {  	_ =	shalt  }
0x7c: {  	_ =	shalt  }
0x7d: {  	_ =	shalt  }
0x7e: {  	_ =	shalt  }
0x7f: {  	_ =	shalt  }
0x80: {  	_ =	shalt  }
0x81: {  	_ =	shalt  }
0x82: {  	_ =	shalt  }
0x83: {  	_ =	shalt  }
0x84: {  	_ =	shalt  }
0x85: {  	_ =	shalt  }
0x86: {  	_ =	shalt  }
0x87: {  	_ =	shalt  }
.Lfunc_end0:
.L_simem_size_0:
called_computation_lowered:
.L_overlay_start_0:
0x88: {  	s2 =	sld [smem:$0x3FD9]  }
0x89: {  	s3 =	sld [smem:$0x3FFE];
	_ =	sdelay $0x1  }
0x8a: {  	s1 =	srdreg.scid  }
0x8b: {  	s0 =	sand.u32 $0x1, s1  }
0x8c: {  	s17 =	sshll.u32 s0, $0xA;
	s2 =	sadd.s32 s3, s2  }
0x8d: {  	s2 =	sadd.s32 s2, s17  }
0x8e: {  	[smem:$0x3FC4] =	sst s2  }
0x8f: {  	_ = 	snop  }
0x90: {  	s2 =	sld [smem:$0x3FC9]  }
0x91: {  	s18 =	sld [smem:$0x3FC8]  }
0x92: {  	s4 =	sld [smem:$0x3FC7]  }
0x93: {  	s5 =	sld [smem:$0x3FC6];
	(tm) =	ssettm $0x1  }
0x94: {  	s6 =	sld [smem:$0x3FFB];
	_ =	sdelay $0x3  }
0x95: {  	_ =	strace s6  }
0x96: {  	s6 =	sld [smem:$0x3FFC];
	_ =	sdelay $0x3  }
0x97: {  	_ =	strace s6  }
0x98: {  	s6 =	sld [smem:$0x3FFD];
	_ =	sdelay $0x3  }
0x99: {  	_ =	strace s6  }
0x9a: {  	_ =	strace $0x8FFFFFFF  }
0x9b: {  	s19 =	sld [smem:$0x3FDB];
	_ =	sdelay $0x1  }
0x9c: {  	s7 =	simm.s32 $_scs_section_size  }
0x9d: {  	s8 =	simm.s32 $_size__tile_overlayer_lowered;
	s9 =	simm.s32 $_tile_overlayer_lowered  }
0x9e: {  	s22 =	simm.s32 $0x1BFF;
	s21 =	sshll.u32 s9, $0x1;
	s6 =	sadd.s32 s7, s19  }
0x9f: {  	s10 =	simm.s32 $0x0;
	s20 =	sshll.u32 s8, $0x1;
	s8 =	sadd.s32 s21, s6  }
0xa0: {  	[timem:s10], [sflag:s22] =	dma.local [hbm:s8], s20  }
0xa1: {  	_ =	swait.ge [sflag:s22], s20  }
0xa2: {  	s7 =	ssub.s32 $0x0, s20;
	[sflag:s22] =	ssyncset.done $0x0  }
0xa3: {  	[sflag:s22] =	ssyncadd.s32 s7;
	_ =	sdelay $0x1  }
0xa4: {  	s23 =	simm.s32 $0x1B8B  }
0xa5: {  	_ =	swait.ge [sflag:s23], $0x1  }
0xa6: {  	[sflag:s23] =	ssyncset.done $0x0  }
0xa7: {  	s25 =	simm.s32 $0x1B8E;
	s24 =	sld [smem:$0x3FFE];
	[sflag:s23] =	ssyncadd.s32 $0xFFFFFFFF  }
0xa8: {  	s26 =	simm.s32 $execute0_lowered;
	[smem:$0x3FD2] =	sst s25  }
0xa9: {  	s8 =	sshll.u32 s26, $0x1;
	_ =	strace $0x80000046;
	[dreg:$0x1] =	wrdreg $0xFFFFFFFF  }
0xaa: {  	s28 =	simm.s32 $_size_execute0_lowered;
	s6 =	sadd.s32 s6, s8;
	[dreg:$0x0] =	wrdreg $0x0  }
0xab: {  	s8 =	sshll.u32 s28, $0x1;
	[dreg:$0x2] =	wrdreg s6  }
0xac: {  	[dreg:$0x3] =	wrdreg s8  }
0xad: {  	[dreg:$0x4] =	wrdreg $0xC0  }
0xae: {  	_ =	task [dreg:s10], $0x5FFFF  }
0xaf: {  	[dreg:$0x1] =	wrdreg $0xFFFFFFFF  }
0xb0: {  	[dreg:$0x0] =	wrdreg $0x60  }
0xb1: {  	[dreg:$0x2] =	wrdreg s2  }
0xb2: {  	[dreg:$0x3] =	wrdreg s18  }
0xb3: {  	[dreg:$0x4] =	wrdreg s4  }
0xb4: {  	[dreg:$0x5] =	wrdreg s5  }
0xb5: {  	[dreg:$0x6] =	wrdreg s24  }
0xb6: {  	[dreg:$0x7] =	wrdreg $0x9  }
0xb7: {  	_ =	task.clear_ibuf [dreg:s10], $0x8FFFF;
	_ =	strace $0x90000046  }
0xb8: {  	s29 =	simm.s32 $0x9;
	_ =	strace $0x80000048  }
0xb9: {  	_ =	swait.ge [sflag:s29], $0x1  }
0xba: {  	[sflag:s29] =	ssyncadd.s32 $0xFFFFFFFF  }
0xbb: {  	_ =	strace $0x90000048  }
0xbc: {  	_ =	sfence  }
0xbd: {  	s30 =	sld [smem:$0x0];
	_ =	sdelay $0x2  }
0xbe: {  	s31 =	sshll.u32 s1, $0xD;
	s1 =	sshrl.u32 s1, $0x2  }
0xbf: {  	s3 =	sand.u32 $0x4000, s31;
	s1 =	sadd.s32 s1, s30  }
0xc0: {  	s0 =	sor.u32 s3, s0;
	s1 =	sshll.u32 s1, $0x11  }
0xc1: {  	s0 =	sor.u32 s1, s0  }
0xc2: {  	s0 =	sadd.s32 $0x8F2B, s0  }
0xc3: {  	[sflag:s0] =	ssyncadd.remote.s32 $0x1  }
0xc4: {  	_ =	sfence.sel $0xFFFF  }
0xc5: {  	[dreg:$0x0] =	wrdreg $0xFFFFFFFF;
	(pc) =	sbr.abs _section_cstart, $3  }
0xc6: {  	[dreg:$0x1] =	wrdreg $0xFFFFFFFF  }
0xc7: {  	_ =	task.clear_ibuf [dreg:s10], $0x2FFFF;
	_ =	strace $0x9FFFFFFF  }
0xc8: {  	(tm) =	ssettm $0x7FFFFFFF  }
0xc9: {  	_ =	shalt  }
tec
execute0_lowered:
.L_overlay_start_1:
0x0: {  	(tag) =	ssettag $0x1  }
0x1: {  	s5 =	rddreg [dreg:$0x0]  }
0x2: {  	s6 =	rddreg [dreg:$0x1]  }
0x3: {  	s1 =	rddreg [dreg:$0x2]  }
0x4: {  	s2 =	rddreg [dreg:$0x3]  }
0x5: {  	s7 =	rddreg [dreg:$0x4]  }
0x6: {  	s0 =	rddreg [dreg:$0x5];
	s3 =	simm.s32 $0x0  }
0x7: {  	s4 =	srdreg.scid;
	s12 =	simm.s32 $0x400;
	s13 =	simm.s32 $0x4400  }
0x8: {  	s14 =	simm.s32 $0x8400;
	s15 =	simm.s32 $0x280;
	s16 =	simm.s32 $0xC400  }
0x9: {  	s17 =	simm.s32 $0x1;
	s18 =	simm.s32 $0x2;
	s19 =	simm.s32 $0x100  }
0xa: {  	s20 =	simm.s32 $0x300;
	s21 =	simm.s32 $0x3;
	s22 =	simm.s32 $0x4  }
0xb: {  	s23 =	simm.s32 $0x180;
	s24 =	simm.s32 $0x380;
	s25 =	simm.s32 $0x10400  }
0xc: {  	s26 =	simm.s32 $0x0;
	[smem:$0x7FF] =	sst s3;
	s8 =	sand.u32 $0x1, s4  }
0xd: {  	s4 =	stileid.u32;
	_ =	strace $0x80000047;
	s9 =	sshll.u32 s8, $0x6  }
0xe: {  	s8 =	ssub.s32 $0x2, s8;
	s10 =	sshll.u32 s4, $0x7;
	s31 =	sshll.u32 s4, $0xB  }
0xf: {  	s7 =	sadd.s32 s9, s7;
	s11 =	sshrl.u32 s8, $0x1;
	s9 =	sor.u32 s9, s10  }
0x10: {  	s10 =	simm.s32 $0x200;
	s8 =	ssub.s32 s8, s11;
	s5 =	sadd.s32 s5, s9  }
0x11: {  	s7 =	sadd.s32 s31, s7;
	s6 =	sadd.s32 s6, s9;
	s9 =	simm.s32 $0x5  }
0x12: {  	s11 =	simm.s32 $0x80;
	s7 =	sadd.s32 $0x800, s7;
	s8 =	smax.u32 s8, $0x1  }
.LBB2_1:
0x13: {  	[tilespmem:s3], [sflag:$0x5] =	stream.linear.gather [hbm4b:s5+s3], $0x200, $0x38;
	[tilespmem:$0x12400] =	vst v63  }
0x14: {  	_ =	swait.ge [sflag:s9], $0x200  }
0x15: {  	[sflag:s9] =	ssyncset.done $0x0  }
0x16: {  	[sflag:s9] =	ssyncadd.s32 $0xFFFFFE00  }
0x17: {  	[tilespmem:s10], [sflag:$0x5] =	stream.linear.gather [hbm4b:s6+s3], $0x200, $0x38;
	[tilespmem:$0x12400] =	vst v63  }
0x18: {  	_ =	swait.ge [sflag:s9], $0x200  }
0x19: {  	[sflag:s9] =	ssyncset.done $0x0  }
0x1a: {  	[sflag:s9] =	ssyncadd.s32 $0xFFFFFE00  }
0x1b: {  	[tilespmem:s12], [sflag:$0x1] =	stream.indirect.gather [hbm4b:s1+s11], $0x80, s3, s11, $0xb8;
	[tilespmem:$0x12400] =	vst v63  }
0x1c: {  	_ = 	snop  }
0x1d: {  	[tilespmem:s13], [sflag:$0x2] =	stream.indirect.gather [hbm4b:s2+s11], $0x80, s10, s11, $0xb8;
	[tilespmem:$0x12400] =	vst v63  }
0x1e: {  	_ = 	snop  }
0x1f: {  	[tilespmem:s14], [sflag:$0x3] =	stream.indirect.gather [hbm4b:s1+s11], $0x80, s11, s11, $0xb8;
	[tilespmem:$0x12400] =	vst v63  }
0x20: {  	_ = 	snop  }
0x21: {  	[tilespmem:s16], [sflag:$0x4] =	stream.indirect.gather [hbm4b:s2+s11], $0x80, s15, s11, $0xb8;
	[tilespmem:$0x12400] =	vst v63  }
0x22: {  	_ =	swait.ge [sflag:s17], $0x4000  }
0x23: {  	[sflag:s17] =	ssyncset.done $0x0  }
0x24: {  	[sflag:s17] =	ssyncadd.s32 $0xFFFFC000  }
0x25: {  	_ =	swait.ge [sflag:s18], $0x4000  }
0x26: {  	[sflag:s18] =	ssyncset.done $0x0  }
0x27: {  	s30 =	simm.s32 $0x600;
	[sflag:s18] =	ssyncadd.s32 $0xFFFFC000  }
0x28: {  	s28 =	simm.s32 $0x4600;
	v0 =	vld [tilespmem:s30+$0x180]  }
0x29: {  	v1 =	vld [tilespmem:s28+$0x180]  }
0x2a: {  	v2 =	vld [tilespmem:s30+$0x190]  }
0x2b: {  	v3 =	vld [tilespmem:s28+$0x190]  }
0x2c: {  	v4 =	vld [tilespmem:s30+$0x1A0]  }
0x2d: {  	v5 =	vld [tilespmem:s28+$0x1A0]  }
0x2e: {  	v6 =	vld [tilespmem:s30+$0x1B0]  }
0x2f: {  	v7 =	vld [tilespmem:s28+$0x1B0]  }
0x30: {  	v8 =	vld [tilespmem:s30+$0x1C0]  }
0x31: {  	v9 =	vld [tilespmem:s28+$0x1C0]  }
0x32: {  	v10 =	vld [tilespmem:s30+$0x1D0]  }
0x33: {  	v16 =	vld [tilespmem:s28+$0xFFFFFE00]  }
0x34: {  	v11 =	vld [tilespmem:s28+$0x1D0]  }
0x35: {  	v12 =	vld [tilespmem:s30+$0x1E0]  }
0x36: {  	v13 =	vld [tilespmem:s28+$0x1E0]  }
0x37: {  	v14 =	vld [tilespmem:s30+$0x1F0]  }
0x38: {  	v15 =	vld [tilespmem:s28+$0x1F0];
	[tilespmem:$0x1FED0] =	vst v16  }
0x39: {  	v17 =	vld [tilespmem:s30+$0xFFFFFE10]  }
0x3a: {  	v18 =	vld [tilespmem:s28+$0xFFFFFE10]  }
0x3b: {  	v19 =	vld [tilespmem:s30+$0xFFFFFE80]  }
0x3c: {  	v20 =	vld [tilespmem:s28+$0xFFFFFE80]  }
0x3d: {  	v21 =	vld [tilespmem:s30+$0xFFFFFE90]  }
0x3e: {  	v22 =	vld [tilespmem:s28+$0xFFFFFE90]  }
0x3f: {  	v23 =	vld [tilespmem:s30+$0xFFFFFF00]  }
0x40: {  	v24 =	vld [tilespmem:s28+$0xFFFFFF00]  }
0x41: {  	v25 =	vld [tilespmem:s30+$0xFFFFFF10]  }
0x42: {  	v26 =	vld [tilespmem:s28+$0xFFFFFF10]  }
0x43: {  	v27 =	vld [tilespmem:s30+$0xFFFFFF80]  }
0x44: {  	v28 =	vld [tilespmem:s28+$0xFFFFFF80]  }
0x45: {  	v29 =	vld [tilespmem:s30+$0xFFFFFF90]  }
0x46: {  	v30 =	vld [tilespmem:s28+$0xFFFFFF90]  }
0x47: {  	v31 =	vld [tilespmem:s30+$0x0]  }
0x48: {  	v32 =	vld [tilespmem:s28+$0x0]  }
0x49: {  	v33 =	vld [tilespmem:s30+$0x10]  }
0x4a: {  	v34 =	vld [tilespmem:s28+$0x10]  }
0x4b: {  	v35 =	vld [tilespmem:s30+$0x80]  }
0x4c: {  	v36 =	vld [tilespmem:s28+$0x80]  }
0x4d: {  	v37 =	vld [tilespmem:s30+$0x90]  }
0x4e: {  	v38 =	vld [tilespmem:s28+$0x90]  }
0x4f: {  	v39 =	vld [tilespmem:s30+$0x100]  }
0x50: {  	v40 =	vld [tilespmem:s28+$0x100]  }
0x51: {  	v41 =	vld [tilespmem:s30+$0x110]  }
0x52: {  	v42 =	vld [tilespmem:s28+$0x110]  }
0x53: {  	v43 =	vld [tilespmem:s30+$0xFFFFFE00]  }
0x54: {  	v44 =	vld [tilespmem:s30+$0xFFFFFE20]  }
0x55: {  	v45 =	vld [tilespmem:s28+$0xFFFFFE20]  }
0x56: {  	v46 =	vld [tilespmem:s30+$0xFFFFFEA0]  }
0x57: {  	v47 =	vld [tilespmem:s28+$0xFFFFFEA0]  }
0x58: {  	v48 =	vld [tilespmem:s30+$0xFFFFFF20]  }
0x59: {  	v49 =	vld [tilespmem:s28+$0xFFFFFF20]  }
0x5a: {  	v50 =	vld [tilespmem:s30+$0xFFFFFFA0]  }
0x5b: {  	v51 =	vld [tilespmem:s28+$0xFFFFFFA0]  }
0x5c: {  	v52 =	vld [tilespmem:s30+$0x20]  }
0x5d: {  	v53 =	vld [tilespmem:s28+$0x20]  }
0x5e: {  	v54 =	vld [tilespmem:s30+$0xA0]  }
0x5f: {  	v55 =	vld [tilespmem:s28+$0xA0]  }
0x60: {  	v56 =	vld [tilespmem:s30+$0x120]  }
0x61: {  	v16 =	vld [tilespmem:s30+$0xFFFFFF30]  }
0x62: {  	v57 =	vld [tilespmem:s28+$0x120]  }
0x63: {  	v58 =	vld [tilespmem:s30+$0xFFFFFE30]  }
0x64: {  	v59 =	vld [tilespmem:s28+$0xFFFFFE30]  }
0x65: {  	v60 =	vld [tilespmem:s30+$0xFFFFFEB0]  }
0x66: {  	v61 =	vld [tilespmem:s28+$0xFFFFFEB0];
	[tilespmem:$0x1FEE0] =	vst v16  }
0x67: {  	v16 =	vld [tilespmem:s30+$0xFFFFFFB0];
	_ =	sdelay $0x4  }
0x68: {  	v63 =	vld [tilespmem:s28+$0xFFFFFF30];
	[tilespmem:$0x1FEF0] =	vst v16  }
0x69: {  	v16 =	vld [tilespmem:s28+$0xFFFFFFB0];
	_ =	sdelay $0x4  }
0x6a: {  	[tilespmem:$0x1FF00] =	vst v16  }
0x6b: {  	v16 =	vld [tilespmem:s30+$0x30];
	_ =	sdelay $0x4  }
0x6c: {  	[tilespmem:$0x1FF10] =	vst v16  }
0x6d: {  	v16 =	vld [tilespmem:s28+$0x30];
	_ =	sdelay $0x4  }
0x6e: {  	[tilespmem:$0x1FF20] =	vst v16  }
0x6f: {  	v16 =	vld [tilespmem:s30+$0xB0];
	_ =	sdelay $0x4  }
0x70: {  	[tilespmem:$0x1FF30] =	vst v16  }
0x71: {  	v16 =	vld [tilespmem:s28+$0xB0];
	_ =	sdelay $0x4  }
0x72: {  	[tilespmem:$0x1FF40] =	vst v16  }
0x73: {  	v16 =	vld [tilespmem:s30+$0x130];
	_ =	sdelay $0x4  }
0x74: {  	[tilespmem:$0x1FF50] =	vst v16  }
0x75: {  	v16 =	vld [tilespmem:s30+$0xFFFFFE40];
	_ =	sdelay $0x4  }
0x76: {  	v62 =	vld [tilespmem:s28+$0x130];
	[tilespmem:$0x1FF60] =	vst v16  }
0x77: {  	v16 =	vld [tilespmem:s28+$0xFFFFFE40];
	_ =	sdelay $0x4  }
0x78: {  	[tilespmem:$0x1FF70] =	vst v16  }
0x79: {  	v16 =	vld [tilespmem:s30+$0xFFFFFEC0];
	_ =	sdelay $0x4  }
0x7a: {  	[tilespmem:$0x1FF80] =	vst v16  }
0x7b: {  	v16 =	vld [tilespmem:s28+$0xFFFFFEC0];
	_ =	sdelay $0x4  }
0x7c: {  	[tilespmem:$0x1FF90] =	vst v16  }
0x7d: {  	v16 =	vld [tilespmem:s30+$0xFFFFFF40];
	_ =	sdelay $0x4  }
0x7e: {  	[tilespmem:$0x1FFA0] =	vst v16  }
0x7f: {  	v16 =	vld [tilespmem:s28+$0xFFFFFF40];
	_ =	sdelay $0x3  }
0x80: {  	v0 =	vmul.f32 v1, v0;
	v1 =	vmul.f32 v3, v2  }
0x81: {  	[tilespmem:$0x1FFB0] =	vst v16  }
0x82: {  	v0 =	vadd.f32 v1, v0;
	v1 =	vmul.f32 v5, v4;
	v16 =	vld [tilespmem:s30+$0xFFFFFFC0];
	_ =	sdelay $0x1  }
0x83: {  	v0 =	vadd.f32 v1, v0;
	v1 =	vmul.f32 v7, v6;
	v37 =	vmul.f32 v38, v37  }
0x84: {  	v38 =	vld [tilespmem:$0x1FED0];
	v39 =	vmul.f32 v40, v39;
	v40 =	vmul.f32 v42, v41  }
0x85: {  	v41 =	vmul.f32 v45, v44;
	v44 =	vmul.f32 v51, v50;
	v50 =	vld [tilespmem:$0x1FEE0]  }
0x86: {  	v45 =	vmul.f32 v53, v52;
	v52 =	vld [tilespmem:$0x1FEF0];
	[tilespmem:$0x1FFC0] =	vst v16  }
0x87: {  	v0 =	vadd.f32 v1, v0;
	v1 =	vmul.f32 v9, v8;
	v16 =	vld [tilespmem:s28+$0xFFFFFFC0]  }
0x88: {  	v42 =	vmul.f32 v47, v46;
	v53 =	vld [tilespmem:$0x1FF00]  }
0x89: {  	v46 =	vmul.f32 v55, v54;
	v0 =	vadd.f32 v1, v0;
	v1 =	vmul.f32 v11, v10;
	v54 =	vld [tilespmem:$0x1FF10]  }
0x8a: {  	v28 =	vmul.f32 v28, v27;
	v47 =	vmul.f32 v57, v56;
	v55 =	vld [tilespmem:$0x1FF20]  }
0x8b: {  	v0 =	vadd.f32 v1, v0;
	v1 =	vmul.f32 v13, v12;
	v27 =	vmul.f32 v38, v43;
	v56 =	vld [tilespmem:$0x1FF30]  }
0x8c: {  	v43 =	vmul.f32 v49, v48;
	v48 =	vmul.f32 v59, v58;
	v58 =	vld [tilespmem:$0x1FF50];
	[tilespmem:$0x1FFD0] =	vst v16  }
0x8d: {  	v32 =	vmul.f32 v32, v31;
	v16 =	vld [tilespmem:s30+$0x40]  }
0x8e: {  	v34 =	vmul.f32 v34, v33;
	v13 =	vmul.f32 v15, v14;
	v0 =	vadd.f32 v1, v0;
	v57 =	vld [tilespmem:$0x1FF40]  }
0x8f: {  	v15 =	vmul.f32 v20, v19;
	v19 =	vmul.f32 v24, v23;
	v59 =	vld [tilespmem:$0x1FF60]  }
0x90: {  	v49 =	vmul.f32 v61, v60;
	v13 =	vadd.f32 v13, v0;
	v0 =	vmul.f32 v26, v25;
	v60 =	vld [tilespmem:$0x1FF70]  }
0x91: {  	v36 =	vmul.f32 v36, v35;
	v1 =	vmul.f32 v18, v17;
	v61 =	vld [tilespmem:$0x1FF80]  }
0x92: {  	v0 =	vadd.f32 v0, v19;
	v19 =	vadd.f32 v34, v32;
	v38 =	vmul.f32 v62, v58;
	v62 =	vld [tilespmem:$0x1FF90];
	[tilespmem:$0x1FFE0] =	vst v16  }
0x93: {  	v18 =	vmul.f32 v22, v21;
	v21 =	vadd.f32 v37, v36;
	v1 =	vadd.f32 v1, v27;
	v16 =	vld [tilespmem:s28+$0x40]  }
0x94: {  	v23 =	vadd.f32 v40, v39;
	v19 =	vadd.f32 v45, v19;
	v45 =	vld [tilespmem:$0x1FFA0]  }
0x95: {  	v21 =	vadd.f32 v46, v21;
	v1 =	vadd.f32 v41, v1;
	v46 =	vld [tilespmem:$0x1FFB0]  }
0x96: {  	v23 =	vadd.f32 v47, v23;
	v47 =	vld [tilespmem:$0x1FFC0]  }
0x97: {  	v1 =	vadd.f32 v48, v1;
	v48 =	vld [tilespmem:$0x1FFD0]  }
0x98: {  	v51 =	vmul.f32 v63, v50;
	v50 =	vld [tilespmem:$0x1FFE0];
	[tilespmem:$0x1FFF0] =	vst v16  }
0x99: {  	v2 =	vld [tilespmem:s30+$0xC0]  }
0x9a: {  	v3 =	vld [tilespmem:s28+$0xC0]  }
0x9b: {  	v4 =	vld [tilespmem:s30+$0x140]  }
0x9c: {  	v5 =	vld [tilespmem:s28+$0x140]  }
0x9d: {  	v6 =	vld [tilespmem:s30+$0xFFFFFE50]  }
0x9e: {  	v7 =	vld [tilespmem:s28+$0xFFFFFE50]  }
0x9f: {  	v8 =	vld [tilespmem:s30+$0xFFFFFED0]  }
0xa0: {  	v9 =	vld [tilespmem:s28+$0xFFFFFED0]  }
0xa1: {  	v10 =	vld [tilespmem:s30+$0xFFFFFF50]  }
0xa2: {  	v11 =	vld [tilespmem:s28+$0xFFFFFF50]  }
0xa3: {  	v12 =	vld [tilespmem:s30+$0xFFFFFFD0]  }
0xa4: {  	v14 =	vld [tilespmem:s28+$0xFFFFFFD0]  }
0xa5: {  	v17 =	vld [tilespmem:s30+$0x50]  }
0xa6: {  	v20 =	vld [tilespmem:s28+$0x50]  }
0xa7: {  	v22 =	vld [tilespmem:s30+$0xD0]  }
0xa8: {  	v30 =	vmul.f32 v30, v29;
	v24 =	vld [tilespmem:s28+$0xD0]  }
0xa9: {  	v26 =	vld [tilespmem:s30+$0x150]  }
0xaa: {  	v15 =	vadd.f32 v18, v15;
	v18 =	vadd.f32 v30, v28;
	v28 =	vld [tilespmem:s28+$0x150]  }
0xab: {  	v30 =	vld [tilespmem:s30+$0xFFFFFE60]  }
0xac: {  	v32 =	vld [tilespmem:s28+$0xFFFFFE60]  }
0xad: {  	v29 =	vld [tilespmem:s30+$0xFFFFFEE0]  }
0xae: {  	v31 =	vld [tilespmem:s28+$0xFFFFFEE0]  }
0xaf: {  	v34 =	vld [tilespmem:s30+$0xFFFFFF60]  }
0xb0: {  	v36 =	vld [tilespmem:s28+$0xFFFFFF60]  }
0xb1: {  	v0 =	vadd.f32 v43, v0;
	v33 =	vld [tilespmem:s30+$0xFFFFFFE0]  }
0xb2: {  	v35 =	vld [tilespmem:s28+$0xFFFFFFE0]  }
0xb3: {  	v15 =	vadd.f32 v42, v15;
	v0 =	vadd.f32 v51, v0;
	v27 =	vmul.f32 v57, v56;
	v51 =	vld [tilespmem:$0x1FFF0]  }
0xb4: {  	v18 =	vadd.f32 v44, v18;
	v25 =	vmul.f32 v53, v52;
	v16 =	vmul.f32 v55, v54;
	v37 =	vld [tilespmem:s30+$0x60]  }
0xb5: {  	v15 =	vadd.f32 v49, v15;
	v21 =	vadd.f32 v27, v21;
	v27 =	vmul.f32 v62, v61;
	v39 =	vld [tilespmem:s28+$0x60]  }
0xb6: {  	v18 =	vadd.f32 v25, v18;
	v25 =	vld [tilespmem:s30+$0xE0];
	v16 =	vadd.f32 v16, v19;
	v19 =	vmul.f32 v60, v59  }
0xb7: {  	v15 =	vadd.f32 v27, v15;
	v40 =	vmul.f32 v48, v47;
	v63 =	vld [tilespmem:s28+$0xE0]  }
0xb8: {  	v49 =	vld [tilespmem:s30+$0x160];
	v1 =	vadd.f32 v19, v1;
	v19 =	vmul.f32 v46, v45;
	v27 =	vmul.f32 v51, v50  }
0xb9: {  	v52 =	vld [tilespmem:s28+$0xFFFFFEF0];
	v2 =	vmul.f32 v3, v2;
	v4 =	vmul.f32 v5, v4  }
0xba: {  	v23 =	vadd.f32 v38, v23;
	v53 =	vld [tilespmem:s30+$0xFFFFFF70];
	v6 =	vmul.f32 v7, v6;
	v8 =	vmul.f32 v9, v8  }
0xbb: {  	v18 =	vadd.f32 v40, v18;
	v55 =	vld [tilespmem:s28+$0xFFFFFF70];
	v9 =	vmul.f32 v11, v10;
	v11 =	vmul.f32 v20, v17  }
0xbc: {  	v0 =	vadd.f32 v19, v0;
	v5 =	vld [tilespmem:s30+$0xFFFFFE70];
	v54 =	vmul.f32 v28, v26;
	v56 =	vmul.f32 v31, v29  }
0xbd: {  	v10 =	vld [tilespmem:s30+$0xFFFFFEF0];
	v58 =	vmul.f32 v36, v34;
	v59 =	vmul.f32 v35, v33;
	v16 =	vadd.f32 v27, v16  }
0xbe: {  	v7 =	vld [tilespmem:s28+$0xFFFFFE70];
	v2 =	vadd.f32 v2, v21;
	v1 =	vadd.f32 v6, v1;
	v6 =	vmul.f32 v14, v12  }
0xbf: {  	v57 =	vld [tilespmem:s30+$0xFFFFFFF0];
	v4 =	vadd.f32 v4, v23;
	v0 =	vadd.f32 v9, v0;
	v9 =	vmul.f32 v24, v22  }
0xc0: {  	v3 =	vld [tilespmem:s28+$0x160];
	v61 =	vmul.f32 v39, v37;
	v8 =	vadd.f32 v8, v15;
	v6 =	vadd.f32 v6, v18  }
0xc1: {  	v60 =	vld [tilespmem:s28+$0xFFFFFFF0];
	v11 =	vadd.f32 v11, v16;
	v2 =	vadd.f32 v9, v2;
	v9 =	vmul.f32 v32, v30  }
0xc2: {  	v15 =	vadd.f32 v54, v4;
	v8 =	vadd.f32 v56, v8;
	v4 =	vld [tilespmem:s30+$0x70];
	v10 =	vmul.f32 v52, v10  }
0xc3: {  	v7 =	vmul.f32 v7, v5;
	v5 =	vld [tilespmem:s28+$0x70];
	v1 =	vadd.f32 v9, v1;
	v9 =	vadd.f32 v58, v0  }
0xc4: {  	s29 =	simm.s32 $0x10440;
	v14 =	vmul.f32 v55, v53;
	v0 =	vadd.f32 v59, v6;
	v6 =	vld [tilespmem:s30+$0xF0];
	v10 =	vadd.f32 v10, v8  }
0xc5: {  	[tilespmem:s29+$0x30] =	vst v13;
	v62 =	vmul.f32 v63, v25;
	v63 =	vmul.f32 v3, v49;
	v8 =	vld [tilespmem:s28+$0xF0];
	v7 =	vadd.f32 v7, v1  }
0xc6: {  	v3 =	vadd.f32 v61, v11;
	v11 =	vmul.f32 v60, v57;
	[tilespmem:s29+$0xFFFFFFD0] =	vst v10;
	v10 =	vadd.f32 v14, v9;
	v9 =	vld [tilespmem:s28+$0x170]  }
0xc7: {  	s31 =	simm.s32 $0xA00;
	v1 =	vadd.f32 v62, v2;
	v2 =	vadd.f32 v63, v15;
	[tilespmem:s29+$0xFFFFFFC0] =	vst v7;
	v7 =	vld [tilespmem:s30+$0x170];
	s30 =	simm.s32 $0x0  }
.LBB2_2:
0xc8: {  	v12 =	vld [tilespmem:s31+$0x180];
	[tilespmem:s29+$0xFFFFFFE0] =	vst v10;
	v0 =	vadd.f32 v11, v0;
	v4 =	vmul.f32 v5, v4;
	s28 =	sadd.s32 $0x400, s28  }
0xc9: {  	v5 =	vld [tilespmem:s28+$0x180]  }
0xca: {  	v10 =	vld [tilespmem:s31+$0x190];
	[tilespmem:s29+$0xFFFFFFF0] =	vst v0;
	v0 =	vadd.f32 v4, v3;
	v3 =	vmul.f32 v8, v6  }
0xcb: {  	s30 =	sadd.s32 $0x8, s30;
	v4 =	vld [tilespmem:s28+$0x190]  }
0xcc: {  	p0 =	slt.u32 s30, $0x78;
	v6 =	vld [tilespmem:s31+$0x1A0];
	[tilespmem:s29+$0x0] =	vst v0;
	v0 =	vadd.f32 v3, v1;
	v1 =	vmul.f32 v9, v7  }
0xcd: {  	v3 =	vld [tilespmem:s28+$0x1A0]  }
0xce: {  	v7 =	vld [tilespmem:s31+$0x1B0];
	[tilespmem:s29+$0x10] =	vst v0;
	v0 =	vadd.f32 v1, v2  }
0xcf: {  	v1 =	vld [tilespmem:s28+$0x1B0]  }
0xd0: {  	v2 =	vmul.f32 v5, v12;
	v4 =	vmul.f32 v4, v10;
	v5 =	vld [tilespmem:s31+$0x1C0];
	[tilespmem:s29+$0x20] =	vst v0  }
0xd1: {  	v0 =	vld [tilespmem:s28+$0x1C0]  }
0xd2: {  	v2 =	vadd.f32 v4, v2;
	v3 =	vmul.f32 v3, v6;
	v4 =	vld [tilespmem:s31+$0x1D0]  }
0xd3: {  	v6 =	vld [tilespmem:s28+$0x1D0]  }
0xd4: {  	v2 =	vadd.f32 v3, v2;
	v1 =	vmul.f32 v1, v7;
	v3 =	vld [tilespmem:s31+$0x1E0]  }
0xd5: {  	v7 =	vld [tilespmem:s28+$0x1E0]  }
0xd6: {  	v1 =	vadd.f32 v1, v2;
	v0 =	vmul.f32 v0, v5;
	v2 =	vld [tilespmem:s31+$0x1F0]  }
0xd7: {  	v5 =	vld [tilespmem:s28+$0x1F0]  }
0xd8: {  	v8 =	vld [tilespmem:s28+$0xFFFFFE00];
	v0 =	vadd.f32 v0, v1;
	v1 =	vmul.f32 v6, v4  }
0xd9: {  	v4 =	vld [tilespmem:s31+$0xFFFFFE10]  }
0xda: {  	v6 =	vld [tilespmem:s28+$0xFFFFFE10];
	v0 =	vadd.f32 v1, v0;
	v1 =	vmul.f32 v7, v3  }
0xdb: {  	v3 =	vld [tilespmem:s31+$0xFFFFFE80]  }
0xdc: {  	v7 =	vld [tilespmem:s28+$0xFFFFFE80];
	v0 =	vadd.f32 v1, v0;
	v1 =	vmul.f32 v5, v2  }
0xdd: {  	v2 =	vld [tilespmem:s31+$0xFFFFFE90]  }
0xde: {  	v5 =	vld [tilespmem:s28+$0xFFFFFE90];
	v0 =	vadd.f32 v1, v0  }
0xdf: {  	s29 =	sadd.s32 $0x200, s29;
	v1 =	vmul.f32 v6, v4;
	v4 =	vld [tilespmem:s31+$0xFFFFFF00]  }
0xe0: {  	v6 =	vld [tilespmem:s28+$0xFFFFFF00];
	[tilespmem:s29+$0x30] =	vst v0  }
0xe1: {  	v0 =	vmul.f32 v7, v3;
	v3 =	vld [tilespmem:s31+$0xFFFFFF10]  }
0xe2: {  	v7 =	vld [tilespmem:s28+$0xFFFFFF10]  }
0xe3: {  	v2 =	vmul.f32 v5, v2;
	v5 =	vld [tilespmem:s31+$0xFFFFFF80]  }
0xe4: {  	v9 =	vld [tilespmem:s28+$0xFFFFFF80]  }
0xe5: {  	v0 =	vadd.f32 v2, v0;
	v2 =	vmul.f32 v6, v4;
	v4 =	vld [tilespmem:s31+$0xFFFFFF90]  }
0xe6: {  	v6 =	vld [tilespmem:s28+$0xFFFFFF90]  }
0xe7: {  	v3 =	vmul.f32 v7, v3;
	v7 =	vld [tilespmem:s31+$0x0]  }
0xe8: {  	v10 =	vld [tilespmem:s28+$0x0]  }
0xe9: {  	v2 =	vadd.f32 v3, v2;
	v3 =	vmul.f32 v9, v5;
	v5 =	vld [tilespmem:s31+$0x10]  }
0xea: {  	v9 =	vld [tilespmem:s28+$0x10]  }
0xeb: {  	v4 =	vmul.f32 v6, v4;
	v6 =	vld [tilespmem:s31+$0x80]  }
0xec: {  	v11 =	vld [tilespmem:s28+$0x80]  }
0xed: {  	v3 =	vadd.f32 v4, v3;
	v4 =	vmul.f32 v10, v7;
	v7 =	vld [tilespmem:s31+$0x90]  }
0xee: {  	v10 =	vld [tilespmem:s28+$0x90]  }
0xef: {  	v5 =	vmul.f32 v9, v5;
	v9 =	vld [tilespmem:s31+$0x100]  }
0xf0: {  	v12 =	vld [tilespmem:s28+$0x100]  }
0xf1: {  	v4 =	vadd.f32 v5, v4;
	v5 =	vmul.f32 v11, v6;
	v6 =	vld [tilespmem:s31+$0x110]  }
0xf2: {  	v11 =	vld [tilespmem:s28+$0x110]  }
0xf3: {  	v13 =	vld [tilespmem:s31+$0xFFFFFE00];
	v7 =	vmul.f32 v10, v7  }
0xf4: {  	v10 =	vld [tilespmem:s31+$0xFFFFFE20]  }
0xf5: {  	v14 =	vld [tilespmem:s28+$0xFFFFFE20];
	v5 =	vadd.f32 v7, v5;
	v7 =	vmul.f32 v12, v9  }
0xf6: {  	v9 =	vld [tilespmem:s31+$0xFFFFFEA0]  }
0xf7: {  	v12 =	vld [tilespmem:s28+$0xFFFFFEA0];
	v6 =	vmul.f32 v11, v6  }
0xf8: {  	v8 =	vmul.f32 v8, v13;
	v11 =	vld [tilespmem:s31+$0xFFFFFF20]  }
0xf9: {  	v13 =	vld [tilespmem:s28+$0xFFFFFF20];
	v6 =	vadd.f32 v6, v7  }
0xfa: {  	v1 =	vadd.f32 v1, v8;
	v7 =	vmul.f32 v14, v10;
	v8 =	vld [tilespmem:s31+$0xFFFFFFA0]  }
0xfb: {  	v10 =	vld [tilespmem:s28+$0xFFFFFFA0]  }
0xfc: {  	v1 =	vadd.f32 v7, v1;
	v7 =	vmul.f32 v12, v9;
	v9 =	vld [tilespmem:s31+$0x20]  }
0xfd: {  	v12 =	vld [tilespmem:s28+$0x20]  }
0xfe: {  	v0 =	vadd.f32 v7, v0;
	v7 =	vmul.f32 v13, v11;
	v11 =	vld [tilespmem:s31+$0xA0]  }
0xff: {  	v13 =	vld [tilespmem:s28+$0xA0]  }
0x100: {  	v2 =	vadd.f32 v7, v2;
	v7 =	vmul.f32 v10, v8;
	v8 =	vld [tilespmem:s31+$0x120]  }
0x101: {  	v10 =	vld [tilespmem:s28+$0x120]  }
0x102: {  	v14 =	vld [tilespmem:s31+$0xFFFFFE30];
	v3 =	vadd.f32 v7, v3;
	v7 =	vmul.f32 v12, v9  }
0x103: {  	v9 =	vld [tilespmem:s28+$0xFFFFFE30]  }
0x104: {  	v12 =	vld [tilespmem:s31+$0xFFFFFEB0];
	v4 =	vadd.f32 v7, v4;
	v7 =	vmul.f32 v13, v11  }
0x105: {  	v11 =	vld [tilespmem:s28+$0xFFFFFEB0]  }
0x106: {  	v13 =	vld [tilespmem:s31+$0xFFFFFF30];
	v5 =	vadd.f32 v7, v5;
	v7 =	vmul.f32 v10, v8  }
0x107: {  	v8 =	vld [tilespmem:s28+$0xFFFFFF30]  }
0x108: {  	v9 =	vmul.f32 v9, v14;
	v10 =	vld [tilespmem:s31+$0xFFFFFFB0];
	v6 =	vadd.f32 v7, v6  }
0x109: {  	v7 =	vld [tilespmem:s28+$0xFFFFFFB0]  }
0x10a: {  	v1 =	vadd.f32 v9, v1;
	v9 =	vmul.f32 v11, v12;
	v11 =	vld [tilespmem:s31+$0x30]  }
0x10b: {  	v12 =	vld [tilespmem:s28+$0x30]  }
0x10c: {  	v0 =	vadd.f32 v9, v0;
	v8 =	vmul.f32 v8, v13;
	v9 =	vld [tilespmem:s31+$0xB0]  }
0x10d: {  	v13 =	vld [tilespmem:s28+$0xB0]  }
0x10e: {  	v2 =	vadd.f32 v8, v2;
	v7 =	vmul.f32 v7, v10;
	v8 =	vld [tilespmem:s31+$0x130]  }
0x10f: {  	v10 =	vld [tilespmem:s28+$0x130]  }
0x110: {  	v14 =	vld [tilespmem:s31+$0xFFFFFE40];
	v3 =	vadd.f32 v7, v3;
	v7 =	vmul.f32 v12, v11  }
0x111: {  	v11 =	vld [tilespmem:s28+$0xFFFFFE40]  }
0x112: {  	v12 =	vld [tilespmem:s31+$0xFFFFFEC0];
	v4 =	vadd.f32 v7, v4;
	v7 =	vmul.f32 v13, v9  }
0x113: {  	v9 =	vld [tilespmem:s28+$0xFFFFFEC0]  }
0x114: {  	v13 =	vld [tilespmem:s31+$0xFFFFFF40];
	v5 =	vadd.f32 v7, v5;
	v7 =	vmul.f32 v10, v8  }
0x115: {  	v8 =	vld [tilespmem:s28+$0xFFFFFF40]  }
0x116: {  	v10 =	vmul.f32 v11, v14;
	v11 =	vld [tilespmem:s31+$0xFFFFFFC0];
	v6 =	vadd.f32 v7, v6  }
0x117: {  	v7 =	vld [tilespmem:s28+$0xFFFFFFC0]  }
0x118: {  	v1 =	vadd.f32 v10, v1;
	v9 =	vmul.f32 v9, v12;
	v10 =	vld [tilespmem:s31+$0x40]  }
0x119: {  	v12 =	vld [tilespmem:s28+$0x40]  }
0x11a: {  	v0 =	vadd.f32 v9, v0;
	v8 =	vmul.f32 v8, v13;
	v9 =	vld [tilespmem:s31+$0xC0]  }
0x11b: {  	v13 =	vld [tilespmem:s28+$0xC0]  }
0x11c: {  	v2 =	vadd.f32 v8, v2;
	v7 =	vmul.f32 v7, v11;
	v8 =	vld [tilespmem:s31+$0x140]  }
0x11d: {  	v11 =	vld [tilespmem:s28+$0x140]  }
0x11e: {  	v14 =	vld [tilespmem:s31+$0xFFFFFE50];
	v3 =	vadd.f32 v7, v3;
	v7 =	vmul.f32 v12, v10  }
0x11f: {  	v10 =	vld [tilespmem:s28+$0xFFFFFE50]  }
0x120: {  	v12 =	vld [tilespmem:s31+$0xFFFFFED0];
	v4 =	vadd.f32 v7, v4;
	v7 =	vmul.f32 v13, v9  }
0x121: {  	v9 =	vld [tilespmem:s28+$0xFFFFFED0]  }
0x122: {  	v13 =	vld [tilespmem:s31+$0xFFFFFF50];
	v5 =	vadd.f32 v7, v5;
	v7 =	vmul.f32 v11, v8  }
0x123: {  	v8 =	vld [tilespmem:s28+$0xFFFFFF50]  }
0x124: {  	v10 =	vmul.f32 v10, v14;
	v11 =	vld [tilespmem:s31+$0xFFFFFFD0];
	v6 =	vadd.f32 v7, v6  }
0x125: {  	v7 =	vld [tilespmem:s28+$0xFFFFFFD0]  }
0x126: {  	v1 =	vadd.f32 v10, v1;
	v9 =	vmul.f32 v9, v12;
	v10 =	vld [tilespmem:s31+$0x50]  }
0x127: {  	v12 =	vld [tilespmem:s28+$0x50]  }
0x128: {  	v0 =	vadd.f32 v9, v0;
	v8 =	vmul.f32 v8, v13;
	v9 =	vld [tilespmem:s31+$0xD0]  }
0x129: {  	v13 =	vld [tilespmem:s28+$0xD0]  }
0x12a: {  	v2 =	vadd.f32 v8, v2;
	v7 =	vmul.f32 v7, v11;
	v8 =	vld [tilespmem:s31+$0x150]  }
0x12b: {  	v11 =	vld [tilespmem:s28+$0x150]  }
0x12c: {  	v14 =	vld [tilespmem:s31+$0xFFFFFE60];
	v3 =	vadd.f32 v7, v3;
	v7 =	vmul.f32 v12, v10  }
0x12d: {  	v10 =	vld [tilespmem:s28+$0xFFFFFE60]  }
0x12e: {  	v12 =	vld [tilespmem:s31+$0xFFFFFEE0];
	v4 =	vadd.f32 v7, v4;
	v7 =	vmul.f32 v13, v9  }
0x12f: {  	v9 =	vld [tilespmem:s28+$0xFFFFFEE0]  }
0x130: {  	v13 =	vld [tilespmem:s31+$0xFFFFFF60];
	v5 =	vadd.f32 v7, v5;
	v7 =	vmul.f32 v11, v8  }
0x131: {  	v8 =	vld [tilespmem:s28+$0xFFFFFF60]  }
0x132: {  	v10 =	vmul.f32 v10, v14;
	v11 =	vld [tilespmem:s31+$0xFFFFFFE0];
	v6 =	vadd.f32 v7, v6  }
0x133: {  	v7 =	vld [tilespmem:s28+$0xFFFFFFE0]  }
0x134: {  	v10 =	vadd.f32 v10, v1;
	v1 =	vmul.f32 v9, v12;
	v9 =	vld [tilespmem:s31+$0x60]  }
0x135: {  	v12 =	vld [tilespmem:s28+$0x60]  }
0x136: {  	v14 =	vadd.f32 v1, v0;
	v0 =	vmul.f32 v8, v13;
	v1 =	vld [tilespmem:s31+$0xE0]  }
0x137: {  	v8 =	vld [tilespmem:s28+$0xE0]  }
0x138: {  	v13 =	vadd.f32 v0, v2;
	v0 =	vmul.f32 v7, v11;
	v2 =	vld [tilespmem:s31+$0x160]  }
0x139: {  	v7 =	vld [tilespmem:s28+$0x160]  }
0x13a: {  	v11 =	vld [tilespmem:s31+$0xFFFFFE70];
	v0 =	vadd.f32 v0, v3;
	v3 =	vmul.f32 v12, v9  }
0x13b: {  	v9 =	vld [tilespmem:s28+$0xFFFFFE70]  }
0x13c: {  	v12 =	vld [tilespmem:s31+$0xFFFFFEF0];
	v3 =	vadd.f32 v3, v4;
	v1 =	vmul.f32 v8, v1  }
0x13d: {  	v4 =	vld [tilespmem:s28+$0xFFFFFEF0]  }
0x13e: {  	v8 =	vld [tilespmem:s31+$0xFFFFFF70];
	v1 =	vadd.f32 v1, v5;
	v2 =	vmul.f32 v7, v2  }
0x13f: {  	v7 =	vld [tilespmem:s28+$0xFFFFFF70]  }
0x140: {  	v5 =	vmul.f32 v9, v11;
	v9 =	vld [tilespmem:s31+$0xFFFFFFF0];
	v2 =	vadd.f32 v2, v6  }
0x141: {  	v11 =	vld [tilespmem:s28+$0xFFFFFFF0]  }
0x142: {  	v6 =	vadd.f32 v5, v10;
	v10 =	vmul.f32 v4, v12;
	v4 =	vld [tilespmem:s31+$0x70]  }
.Ltmp0:
0x143: {  	v5 =	vld [tilespmem:s28+$0x70];
	(pc) =	sbr.rel @p0 .LBB2_2-.Ltmp0, $4  }
0x144: {  	[tilespmem:s29+$0xFFFFFFC0] =	vst v6;
	v10 =	vadd.f32 v10, v14;
	v7 =	vmul.f32 v7, v8;
	v6 =	vld [tilespmem:s31+$0xF0]  }
0x145: {  	v8 =	vld [tilespmem:s28+$0xF0]  }
0x146: {  	[tilespmem:s29+$0xFFFFFFD0] =	vst v10;
	v10 =	vadd.f32 v7, v13;
	v11 =	vmul.f32 v11, v9;
	v7 =	vld [tilespmem:s31+$0x170]  }
0x147: {  	s31 =	sadd.s32 $0x400, s31;
	v9 =	vld [tilespmem:s28+$0x170]  }
0x148: {  	_ =	sdelay $0x1  }
0x149: {  	v4 =	vmul.f32 v5, v4  }
0x14a: {  	v0 =	vadd.f32 v11, v0;
	v5 =	vmul.f32 v8, v6  }
0x14b: {  	[tilespmem:s29+$0xFFFFFFE0] =	vst v10;
	v3 =	vadd.f32 v4, v3;
	v4 =	vmul.f32 v9, v7  }
0x14c: {  	[tilespmem:s29+$0xFFFFFFF0] =	vst v0;
	v0 =	vadd.f32 v5, v1  }
0x14d: {  	[tilespmem:s29+$0x0] =	vst v3;
	v1 =	vadd.f32 v4, v2  }
0x14e: {  	[tilespmem:s29+$0x10] =	vst v0  }
0x14f: {  	[tilespmem:s29+$0x20] =	vst v1  }
0x150: {  	[tilespmem:s12], [sflag:$0x1] =	stream.indirect.gather [hbm4b:s1+s11], $0x80, s19, s11, $0xb8;
	[tilespmem:$0x12400] =	vst v63  }
0x151: {  	_ = 	snop  }
0x152: {  	[tilespmem:s13], [sflag:$0x2] =	stream.indirect.gather [hbm4b:s2+s11], $0x80, s20, s11, $0xb8;
	[tilespmem:$0x12400] =	vst v63  }
0x153: {  	_ =	swait.ge [sflag:s21], $0x4000  }
0x154: {  	[sflag:s21] =	ssyncset.done $0x0  }
0x155: {  	[sflag:s21] =	ssyncadd.s32 $0xFFFFC000  }
0x156: {  	_ =	swait.ge [sflag:s22], $0x4000  }
0x157: {  	[sflag:s22] =	ssyncset.done $0x0  }
0x158: {  	s30 =	simm.s32 $0x8600;
	[sflag:s22] =	ssyncadd.s32 $0xFFFFC000  }
0x159: {  	s28 =	simm.s32 $0xC600;
	v0 =	vld [tilespmem:s30+$0x180]  }
0x15a: {  	v1 =	vld [tilespmem:s28+$0x180]  }
0x15b: {  	v2 =	vld [tilespmem:s30+$0x190]  }
0x15c: {  	v3 =	vld [tilespmem:s28+$0x190]  }
0x15d: {  	v4 =	vld [tilespmem:s30+$0x1A0]  }
0x15e: {  	v5 =	vld [tilespmem:s28+$0x1A0]  }
0x15f: {  	v6 =	vld [tilespmem:s30+$0x1B0]  }
0x160: {  	v7 =	vld [tilespmem:s28+$0x1B0]  }
0x161: {  	v8 =	vld [tilespmem:s30+$0x1C0]  }
0x162: {  	v9 =	vld [tilespmem:s28+$0x1C0]  }
0x163: {  	v10 =	vld [tilespmem:s30+$0x1D0]  }
0x164: {  	v16 =	vld [tilespmem:s28+$0xFFFFFE00]  }
0x165: {  	v11 =	vld [tilespmem:s28+$0x1D0]  }
0x166: {  	v12 =	vld [tilespmem:s30+$0x1E0]  }
0x167: {  	v13 =	vld [tilespmem:s28+$0x1E0]  }
0x168: {  	v14 =	vld [tilespmem:s30+$0x1F0]  }
0x169: {  	v15 =	vld [tilespmem:s28+$0x1F0];
	[tilespmem:$0x1FDA0] =	vst v16  }
0x16a: {  	v17 =	vld [tilespmem:s30+$0xFFFFFE10]  }
0x16b: {  	v18 =	vld [tilespmem:s28+$0xFFFFFE10]  }
0x16c: {  	v19 =	vld [tilespmem:s30+$0xFFFFFE80]  }
0x16d: {  	v20 =	vld [tilespmem:s28+$0xFFFFFE80]  }
0x16e: {  	v21 =	vld [tilespmem:s30+$0xFFFFFE90]  }
0x16f: {  	v22 =	vld [tilespmem:s28+$0xFFFFFE90]  }
0x170: {  	v23 =	vld [tilespmem:s30+$0xFFFFFF00]  }
0x171: {  	v24 =	vld [tilespmem:s28+$0xFFFFFF00]  }
0x172: {  	v25 =	vld [tilespmem:s30+$0xFFFFFF10]  }
0x173: {  	v26 =	vld [tilespmem:s28+$0xFFFFFF10]  }
0x174: {  	v27 =	vld [tilespmem:s30+$0xFFFFFF80]  }
0x175: {  	v28 =	vld [tilespmem:s28+$0xFFFFFF80]  }
0x176: {  	v29 =	vld [tilespmem:s30+$0xFFFFFF90]  }
0x177: {  	v30 =	vld [tilespmem:s28+$0xFFFFFF90]  }
0x178: {  	v31 =	vld [tilespmem:s30+$0x0]  }
0x179: {  	v32 =	vld [tilespmem:s28+$0x0]  }
0x17a: {  	v33 =	vld [tilespmem:s30+$0x10]  }
0x17b: {  	v34 =	vld [tilespmem:s28+$0x10]  }
0x17c: {  	v35 =	vld [tilespmem:s30+$0x80]  }
0x17d: {  	v36 =	vld [tilespmem:s28+$0x80]  }
0x17e: {  	v37 =	vld [tilespmem:s30+$0x90]  }
0x17f: {  	v38 =	vld [tilespmem:s28+$0x90]  }
0x180: {  	v39 =	vld [tilespmem:s30+$0x100]  }
0x181: {  	v40 =	vld [tilespmem:s28+$0x100]  }
0x182: {  	v41 =	vld [tilespmem:s30+$0x110]  }
0x183: {  	v42 =	vld [tilespmem:s28+$0x110]  }
0x184: {  	v43 =	vld [tilespmem:s30+$0xFFFFFE00]  }
0x185: {  	v44 =	vld [tilespmem:s30+$0xFFFFFE20]  }
0x186: {  	v45 =	vld [tilespmem:s28+$0xFFFFFE20]  }
0x187: {  	v46 =	vld [tilespmem:s30+$0xFFFFFEA0]  }
0x188: {  	v47 =	vld [tilespmem:s28+$0xFFFFFEA0]  }
0x189: {  	v48 =	vld [tilespmem:s30+$0xFFFFFF20]  }
0x18a: {  	v49 =	vld [tilespmem:s28+$0xFFFFFF20]  }
0x18b: {  	v50 =	vld [tilespmem:s30+$0xFFFFFFA0]  }
0x18c: {  	v51 =	vld [tilespmem:s28+$0xFFFFFFA0]  }
0x18d: {  	v52 =	vld [tilespmem:s30+$0x20]  }
0x18e: {  	v53 =	vld [tilespmem:s28+$0x20]  }
0x18f: {  	v54 =	vld [tilespmem:s30+$0xA0]  }
0x190: {  	v55 =	vld [tilespmem:s28+$0xA0]  }
0x191: {  	v56 =	vld [tilespmem:s30+$0x120]  }
0x192: {  	v16 =	vld [tilespmem:s30+$0xFFFFFF30]  }
0x193: {  	v57 =	vld [tilespmem:s28+$0x120]  }
0x194: {  	v58 =	vld [tilespmem:s30+$0xFFFFFE30]  }
0x195: {  	v59 =	vld [tilespmem:s28+$0xFFFFFE30]  }
0x196: {  	v60 =	vld [tilespmem:s30+$0xFFFFFEB0]  }
0x197: {  	v61 =	vld [tilespmem:s28+$0xFFFFFEB0];
	[tilespmem:$0x1FDB0] =	vst v16  }
0x198: {  	v16 =	vld [tilespmem:s30+$0xFFFFFFB0];
	_ =	sdelay $0x4  }
0x199: {  	v63 =	vld [tilespmem:s28+$0xFFFFFF30];
	[tilespmem:$0x1FDC0] =	vst v16  }
0x19a: {  	v16 =	vld [tilespmem:s28+$0xFFFFFFB0];
	_ =	sdelay $0x4  }
0x19b: {  	[tilespmem:$0x1FDD0] =	vst v16  }
0x19c: {  	v16 =	vld [tilespmem:s30+$0x30];
	_ =	sdelay $0x4  }
0x19d: {  	[tilespmem:$0x1FDE0] =	vst v16  }
0x19e: {  	v16 =	vld [tilespmem:s28+$0x30];
	_ =	sdelay $0x4  }
0x19f: {  	[tilespmem:$0x1FDF0] =	vst v16  }
0x1a0: {  	v16 =	vld [tilespmem:s30+$0xB0];
	_ =	sdelay $0x4  }
0x1a1: {  	[tilespmem:$0x1FE00] =	vst v16  }
0x1a2: {  	v16 =	vld [tilespmem:s28+$0xB0];
	_ =	sdelay $0x4  }
0x1a3: {  	[tilespmem:$0x1FE10] =	vst v16  }
0x1a4: {  	v16 =	vld [tilespmem:s30+$0x130];
	_ =	sdelay $0x4  }
0x1a5: {  	[tilespmem:$0x1FE20] =	vst v16  }
0x1a6: {  	v16 =	vld [tilespmem:s30+$0xFFFFFE40];
	_ =	sdelay $0x4  }
0x1a7: {  	v62 =	vld [tilespmem:s28+$0x130];
	[tilespmem:$0x1FE30] =	vst v16  }
0x1a8: {  	v16 =	vld [tilespmem:s28+$0xFFFFFE40];
	_ =	sdelay $0x4  }
0x1a9: {  	[tilespmem:$0x1FE40] =	vst v16  }
0x1aa: {  	v16 =	vld [tilespmem:s30+$0xFFFFFEC0];
	_ =	sdelay $0x4  }
0x1ab: {  	[tilespmem:$0x1FE50] =	vst v16  }
0x1ac: {  	v16 =	vld [tilespmem:s28+$0xFFFFFEC0];
	_ =	sdelay $0x4  }
0x1ad: {  	[tilespmem:$0x1FE60] =	vst v16  }
0x1ae: {  	v16 =	vld [tilespmem:s30+$0xFFFFFF40];
	_ =	sdelay $0x4  }
0x1af: {  	[tilespmem:$0x1FE70] =	vst v16  }
0x1b0: {  	v16 =	vld [tilespmem:s28+$0xFFFFFF40];
	_ =	sdelay $0x3  }
0x1b1: {  	v0 =	vmul.f32 v1, v0;
	v1 =	vmul.f32 v3, v2  }
0x1b2: {  	[tilespmem:$0x1FE80] =	vst v16  }
0x1b3: {  	v0 =	vadd.f32 v1, v0;
	v1 =	vmul.f32 v5, v4;
	v16 =	vld [tilespmem:s30+$0xFFFFFFC0];
	_ =	sdelay $0x1  }
0x1b4: {  	v0 =	vadd.f32 v1, v0;
	v1 =	vmul.f32 v7, v6;
	v37 =	vmul.f32 v38, v37  }
0x1b5: {  	v38 =	vld [tilespmem:$0x1FDA0];
	v39 =	vmul.f32 v40, v39;
	v40 =	vmul.f32 v42, v41  }
0x1b6: {  	v41 =	vmul.f32 v45, v44;
	v44 =	vmul.f32 v51, v50;
	v50 =	vld [tilespmem:$0x1FDB0]  }
0x1b7: {  	v45 =	vmul.f32 v53, v52;
	v52 =	vld [tilespmem:$0x1FDC0];
	[tilespmem:$0x1FE90] =	vst v16  }
0x1b8: {  	v0 =	vadd.f32 v1, v0;
	v1 =	vmul.f32 v9, v8;
	v16 =	vld [tilespmem:s28+$0xFFFFFFC0]  }
0x1b9: {  	v42 =	vmul.f32 v47, v46;
	v53 =	vld [tilespmem:$0x1FDD0]  }
0x1ba: {  	v46 =	vmul.f32 v55, v54;
	v0 =	vadd.f32 v1, v0;
	v1 =	vmul.f32 v11, v10;
	v54 =	vld [tilespmem:$0x1FDE0]  }
0x1bb: {  	v28 =	vmul.f32 v28, v27;
	v47 =	vmul.f32 v57, v56;
	v55 =	vld [tilespmem:$0x1FDF0]  }
0x1bc: {  	v0 =	vadd.f32 v1, v0;
	v1 =	vmul.f32 v13, v12;
	v27 =	vmul.f32 v38, v43;
	v56 =	vld [tilespmem:$0x1FE00]  }
0x1bd: {  	v43 =	vmul.f32 v49, v48;
	v48 =	vmul.f32 v59, v58;
	v58 =	vld [tilespmem:$0x1FE20];
	[tilespmem:$0x1FEA0] =	vst v16  }
0x1be: {  	v32 =	vmul.f32 v32, v31;
	v16 =	vld [tilespmem:s30+$0x40]  }
0x1bf: {  	v34 =	vmul.f32 v34, v33;
	v13 =	vmul.f32 v15, v14;
	v0 =	vadd.f32 v1, v0;
	v57 =	vld [tilespmem:$0x1FE10]  }
0x1c0: {  	v15 =	vmul.f32 v20, v19;
	v19 =	vmul.f32 v24, v23;
	v59 =	vld [tilespmem:$0x1FE30]  }
0x1c1: {  	v49 =	vmul.f32 v61, v60;
	v13 =	vadd.f32 v13, v0;
	v0 =	vmul.f32 v26, v25;
	v60 =	vld [tilespmem:$0x1FE40]  }
0x1c2: {  	v36 =	vmul.f32 v36, v35;
	v1 =	vmul.f32 v18, v17;
	v61 =	vld [tilespmem:$0x1FE50]  }
0x1c3: {  	v0 =	vadd.f32 v0, v19;
	v19 =	vadd.f32 v34, v32;
	v38 =	vmul.f32 v62, v58;
	v62 =	vld [tilespmem:$0x1FE60];
	[tilespmem:$0x1FEB0] =	vst v16  }
0x1c4: {  	v18 =	vmul.f32 v22, v21;
	v21 =	vadd.f32 v37, v36;
	v1 =	vadd.f32 v1, v27;
	v16 =	vld [tilespmem:s28+$0x40]  }
0x1c5: {  	v23 =	vadd.f32 v40, v39;
	v19 =	vadd.f32 v45, v19;
	v45 =	vld [tilespmem:$0x1FE70]  }
0x1c6: {  	v21 =	vadd.f32 v46, v21;
	v1 =	vadd.f32 v41, v1;
	v46 =	vld [tilespmem:$0x1FE80]  }
0x1c7: {  	v23 =	vadd.f32 v47, v23;
	v47 =	vld [tilespmem:$0x1FE90]  }
0x1c8: {  	v1 =	vadd.f32 v48, v1;
	v48 =	vld [tilespmem:$0x1FEA0]  }
0x1c9: {  	v51 =	vmul.f32 v63, v50;
	v50 =	vld [tilespmem:$0x1FEB0];
	[tilespmem:$0x1FEC0] =	vst v16  }
0x1ca: {  	v2 =	vld [tilespmem:s30+$0xC0]  }
0x1cb: {  	v3 =	vld [tilespmem:s28+$0xC0]  }
0x1cc: {  	v4 =	vld [tilespmem:s30+$0x140]  }
0x1cd: {  	v5 =	vld [tilespmem:s28+$0x140]  }
0x1ce: {  	v6 =	vld [tilespmem:s30+$0xFFFFFE50]  }
0x1cf: {  	v7 =	vld [tilespmem:s28+$0xFFFFFE50]  }
0x1d0: {  	v8 =	vld [tilespmem:s30+$0xFFFFFED0]  }
0x1d1: {  	v9 =	vld [tilespmem:s28+$0xFFFFFED0]  }
0x1d2: {  	v10 =	vld [tilespmem:s30+$0xFFFFFF50]  }
0x1d3: {  	v11 =	vld [tilespmem:s28+$0xFFFFFF50]  }
0x1d4: {  	v12 =	vld [tilespmem:s30+$0xFFFFFFD0]  }
0x1d5: {  	v14 =	vld [tilespmem:s28+$0xFFFFFFD0]  }
0x1d6: {  	v17 =	vld [tilespmem:s30+$0x50]  }
0x1d7: {  	v20 =	vld [tilespmem:s28+$0x50]  }
0x1d8: {  	v22 =	vld [tilespmem:s30+$0xD0]  }
0x1d9: {  	v30 =	vmul.f32 v30, v29;
	v24 =	vld [tilespmem:s28+$0xD0]  }
0x1da: {  	v26 =	vld [tilespmem:s30+$0x150]  }
0x1db: {  	v15 =	vadd.f32 v18, v15;
	v18 =	vadd.f32 v30, v28;
	v28 =	vld [tilespmem:s28+$0x150]  }
0x1dc: {  	v30 =	vld [tilespmem:s30+$0xFFFFFE60]  }
0x1dd: {  	v32 =	vld [tilespmem:s28+$0xFFFFFE60]  }
0x1de: {  	v29 =	vld [tilespmem:s30+$0xFFFFFEE0]  }
0x1df: {  	v31 =	vld [tilespmem:s28+$0xFFFFFEE0]  }
0x1e0: {  	v34 =	vld [tilespmem:s30+$0xFFFFFF60]  }
0x1e1: {  	v36 =	vld [tilespmem:s28+$0xFFFFFF60]  }
0x1e2: {  	v0 =	vadd.f32 v43, v0;
	v33 =	vld [tilespmem:s30+$0xFFFFFFE0]  }
0x1e3: {  	v35 =	vld [tilespmem:s28+$0xFFFFFFE0]  }
0x1e4: {  	v15 =	vadd.f32 v42, v15;
	v0 =	vadd.f32 v51, v0;
	v27 =	vmul.f32 v57, v56;
	v51 =	vld [tilespmem:$0x1FEC0]  }
0x1e5: {  	v18 =	vadd.f32 v44, v18;
	v25 =	vmul.f32 v53, v52;
	v16 =	vmul.f32 v55, v54;
	v37 =	vld [tilespmem:s30+$0x60]  }
0x1e6: {  	v15 =	vadd.f32 v49, v15;
	v21 =	vadd.f32 v27, v21;
	v27 =	vmul.f32 v62, v61;
	v39 =	vld [tilespmem:s28+$0x60]  }
0x1e7: {  	v18 =	vadd.f32 v25, v18;
	v25 =	vld [tilespmem:s30+$0xE0];
	v16 =	vadd.f32 v16, v19;
	v19 =	vmul.f32 v60, v59  }
0x1e8: {  	v15 =	vadd.f32 v27, v15;
	v40 =	vmul.f32 v48, v47;
	v63 =	vld [tilespmem:s28+$0xE0]  }
0x1e9: {  	v49 =	vld [tilespmem:s30+$0x160];
	v1 =	vadd.f32 v19, v1;
	v19 =	vmul.f32 v46, v45;
	v27 =	vmul.f32 v51, v50  }
0x1ea: {  	v52 =	vld [tilespmem:s28+$0xFFFFFEF0];
	v2 =	vmul.f32 v3, v2;
	v4 =	vmul.f32 v5, v4  }
0x1eb: {  	v23 =	vadd.f32 v38, v23;
	v53 =	vld [tilespmem:s30+$0xFFFFFF70];
	v6 =	vmul.f32 v7, v6;
	v8 =	vmul.f32 v9, v8  }
0x1ec: {  	v18 =	vadd.f32 v40, v18;
	v55 =	vld [tilespmem:s28+$0xFFFFFF70];
	v9 =	vmul.f32 v11, v10;
	v11 =	vmul.f32 v20, v17  }
0x1ed: {  	v0 =	vadd.f32 v19, v0;
	v5 =	vld [tilespmem:s30+$0xFFFFFE70];
	v54 =	vmul.f32 v28, v26;
	v56 =	vmul.f32 v31, v29  }
0x1ee: {  	v10 =	vld [tilespmem:s30+$0xFFFFFEF0];
	v58 =	vmul.f32 v36, v34;
	v59 =	vmul.f32 v35, v33;
	v16 =	vadd.f32 v27, v16  }
0x1ef: {  	v7 =	vld [tilespmem:s28+$0xFFFFFE70];
	v2 =	vadd.f32 v2, v21;
	v1 =	vadd.f32 v6, v1;
	v6 =	vmul.f32 v14, v12  }
0x1f0: {  	v57 =	vld [tilespmem:s30+$0xFFFFFFF0];
	v4 =	vadd.f32 v4, v23;
	v0 =	vadd.f32 v9, v0;
	v9 =	vmul.f32 v24, v22  }
0x1f1: {  	v3 =	vld [tilespmem:s28+$0x160];
	v61 =	vmul.f32 v39, v37;
	v8 =	vadd.f32 v8, v15;
	v6 =	vadd.f32 v6, v18  }
0x1f2: {  	v60 =	vld [tilespmem:s28+$0xFFFFFFF0];
	v11 =	vadd.f32 v11, v16;
	v2 =	vadd.f32 v9, v2;
	v9 =	vmul.f32 v32, v30  }
0x1f3: {  	v15 =	vadd.f32 v54, v4;
	v8 =	vadd.f32 v56, v8;
	v4 =	vld [tilespmem:s30+$0x70];
	v10 =	vmul.f32 v52, v10  }
0x1f4: {  	v7 =	vmul.f32 v7, v5;
	v5 =	vld [tilespmem:s28+$0x70];
	v1 =	vadd.f32 v9, v1;
	v9 =	vadd.f32 v58, v0  }
0x1f5: {  	s29 =	simm.s32 $0x104F0;
	v14 =	vmul.f32 v55, v53;
	v0 =	vadd.f32 v59, v6;
	v6 =	vld [tilespmem:s30+$0xF0];
	v10 =	vadd.f32 v10, v8  }
0x1f6: {  	[tilespmem:s29+$0x0] =	vst v13;
	v62 =	vmul.f32 v63, v25;
	v63 =	vmul.f32 v3, v49;
	v8 =	vld [tilespmem:s28+$0xF0];
	v7 =	vadd.f32 v7, v1  }
0x1f7: {  	v3 =	vadd.f32 v61, v11;
	v11 =	vmul.f32 v60, v57;
	[tilespmem:s29+$0xFFFFFFA0] =	vst v10;
	v10 =	vadd.f32 v14, v9;
	v9 =	vld [tilespmem:s28+$0x170]  }
0x1f8: {  	s31 =	simm.s32 $0x8A00;
	v1 =	vadd.f32 v62, v2;
	v2 =	vadd.f32 v63, v15;
	[tilespmem:s29+$0xFFFFFF90] =	vst v7;
	v7 =	vld [tilespmem:s30+$0x170];
	s30 =	simm.s32 $0x0  }
.LBB2_4:
0x1f9: {  	v12 =	vld [tilespmem:s31+$0x180];
	[tilespmem:s29+$0xFFFFFFB0] =	vst v10;
	v0 =	vadd.f32 v11, v0;
	v4 =	vmul.f32 v5, v4;
	s28 =	sadd.s32 $0x400, s28  }
0x1fa: {  	v5 =	vld [tilespmem:s28+$0x180]  }
0x1fb: {  	v10 =	vld [tilespmem:s31+$0x190];
	[tilespmem:s29+$0xFFFFFFC0] =	vst v0;
	v0 =	vadd.f32 v4, v3;
	v3 =	vmul.f32 v8, v6  }
0x1fc: {  	s30 =	sadd.s32 $0x8, s30;
	v4 =	vld [tilespmem:s28+$0x190]  }
0x1fd: {  	p0 =	slt.u32 s30, $0x78;
	v6 =	vld [tilespmem:s31+$0x1A0];
	[tilespmem:s29+$0xFFFFFFD0] =	vst v0;
	v0 =	vadd.f32 v3, v1;
	v1 =	vmul.f32 v9, v7  }
0x1fe: {  	v3 =	vld [tilespmem:s28+$0x1A0]  }
0x1ff: {  	v7 =	vld [tilespmem:s31+$0x1B0];
	[tilespmem:s29+$0xFFFFFFE0] =	vst v0;
	v0 =	vadd.f32 v1, v2  }
0x200: {  	v1 =	vld [tilespmem:s28+$0x1B0]  }
0x201: {  	v2 =	vmul.f32 v5, v12;
	v4 =	vmul.f32 v4, v10;
	v5 =	vld [tilespmem:s31+$0x1C0];
	[tilespmem:s29+$0xFFFFFFF0] =	vst v0  }
0x202: {  	v0 =	vld [tilespmem:s28+$0x1C0]  }
0x203: {  	v2 =	vadd.f32 v4, v2;
	v3 =	vmul.f32 v3, v6;
	v4 =	vld [tilespmem:s31+$0x1D0]  }
0x204: {  	v6 =	vld [tilespmem:s28+$0x1D0]  }
0x205: {  	v2 =	vadd.f32 v3, v2;
	v1 =	vmul.f32 v1, v7;
	v3 =	vld [tilespmem:s31+$0x1E0]  }
0x206: {  	v7 =	vld [tilespmem:s28+$0x1E0]  }
0x207: {  	v1 =	vadd.f32 v1, v2;
	v0 =	vmul.f32 v0, v5;
	v2 =	vld [tilespmem:s31+$0x1F0]  }
0x208: {  	v5 =	vld [tilespmem:s28+$0x1F0]  }
0x209: {  	v8 =	vld [tilespmem:s28+$0xFFFFFE00];
	v0 =	vadd.f32 v0, v1;
	v1 =	vmul.f32 v6, v4  }
0x20a: {  	v4 =	vld [tilespmem:s31+$0xFFFFFE10]  }
0x20b: {  	v6 =	vld [tilespmem:s28+$0xFFFFFE10];
	v0 =	vadd.f32 v1, v0;
	v1 =	vmul.f32 v7, v3  }
0x20c: {  	v3 =	vld [tilespmem:s31+$0xFFFFFE80]  }
0x20d: {  	v7 =	vld [tilespmem:s28+$0xFFFFFE80];
	v0 =	vadd.f32 v1, v0;
	v1 =	vmul.f32 v5, v2  }
0x20e: {  	v2 =	vld [tilespmem:s31+$0xFFFFFE90]  }
0x20f: {  	v5 =	vld [tilespmem:s28+$0xFFFFFE90];
	v0 =	vadd.f32 v1, v0  }
0x210: {  	s29 =	sadd.s32 $0x200, s29;
	v1 =	vmul.f32 v6, v4;
	v4 =	vld [tilespmem:s31+$0xFFFFFF00]  }
0x211: {  	v6 =	vld [tilespmem:s28+$0xFFFFFF00];
	[tilespmem:s29+$0x0] =	vst v0  }
0x212: {  	v0 =	vmul.f32 v7, v3;
	v3 =	vld [tilespmem:s31+$0xFFFFFF10]  }
0x213: {  	v7 =	vld [tilespmem:s28+$0xFFFFFF10]  }
0x214: {  	v2 =	vmul.f32 v5, v2;
	v5 =	vld [tilespmem:s31+$0xFFFFFF80]  }
0x215: {  	v9 =	vld [tilespmem:s28+$0xFFFFFF80]  }
0x216: {  	v0 =	vadd.f32 v2, v0;
	v2 =	vmul.f32 v6, v4;
	v4 =	vld [tilespmem:s31+$0xFFFFFF90]  }
0x217: {  	v6 =	vld [tilespmem:s28+$0xFFFFFF90]  }
0x218: {  	v3 =	vmul.f32 v7, v3;
	v7 =	vld [tilespmem:s31+$0x0]  }
0x219: {  	v10 =	vld [tilespmem:s28+$0x0]  }
0x21a: {  	v2 =	vadd.f32 v3, v2;
	v3 =	vmul.f32 v9, v5;
	v5 =	vld [tilespmem:s31+$0x10]  }
0x21b: {  	v9 =	vld [tilespmem:s28+$0x10]  }
0x21c: {  	v4 =	vmul.f32 v6, v4;
	v6 =	vld [tilespmem:s31+$0x80]  }
0x21d: {  	v11 =	vld [tilespmem:s28+$0x80]  }
0x21e: {  	v3 =	vadd.f32 v4, v3;
	v4 =	vmul.f32 v10, v7;
	v7 =	vld [tilespmem:s31+$0x90]  }
0x21f: {  	v10 =	vld [tilespmem:s28+$0x90]  }
0x220: {  	v5 =	vmul.f32 v9, v5;
	v9 =	vld [tilespmem:s31+$0x100]  }
0x221: {  	v12 =	vld [tilespmem:s28+$0x100]  }
0x222: {  	v4 =	vadd.f32 v5, v4;
	v5 =	vmul.f32 v11, v6;
	v6 =	vld [tilespmem:s31+$0x110]  }
0x223: {  	v11 =	vld [tilespmem:s28+$0x110]  }
0x224: {  	v13 =	vld [tilespmem:s31+$0xFFFFFE00];
	v7 =	vmul.f32 v10, v7  }
0x225: {  	v10 =	vld [tilespmem:s31+$0xFFFFFE20]  }
0x226: {  	v14 =	vld [tilespmem:s28+$0xFFFFFE20];
	v5 =	vadd.f32 v7, v5;
	v7 =	vmul.f32 v12, v9  }
0x227: {  	v9 =	vld [tilespmem:s31+$0xFFFFFEA0]  }
0x228: {  	v12 =	vld [tilespmem:s28+$0xFFFFFEA0];
	v6 =	vmul.f32 v11, v6  }
0x229: {  	v8 =	vmul.f32 v8, v13;
	v11 =	vld [tilespmem:s31+$0xFFFFFF20]  }
0x22a: {  	v13 =	vld [tilespmem:s28+$0xFFFFFF20];
	v6 =	vadd.f32 v6, v7  }
0x22b: {  	v1 =	vadd.f32 v1, v8;
	v7 =	vmul.f32 v14, v10;
	v8 =	vld [tilespmem:s31+$0xFFFFFFA0]  }
0x22c: {  	v10 =	vld [tilespmem:s28+$0xFFFFFFA0]  }
0x22d: {  	v1 =	vadd.f32 v7, v1;
	v7 =	vmul.f32 v12, v9;
	v9 =	vld [tilespmem:s31+$0x20]  }
0x22e: {  	v12 =	vld [tilespmem:s28+$0x20]  }
0x22f: {  	v0 =	vadd.f32 v7, v0;
	v7 =	vmul.f32 v13, v11;
	v11 =	vld [tilespmem:s31+$0xA0]  }
0x230: {  	v13 =	vld [tilespmem:s28+$0xA0]  }
0x231: {  	v2 =	vadd.f32 v7, v2;
	v7 =	vmul.f32 v10, v8;
	v8 =	vld [tilespmem:s31+$0x120]  }
0x232: {  	v10 =	vld [tilespmem:s28+$0x120]  }
0x233: {  	v14 =	vld [tilespmem:s31+$0xFFFFFE30];
	v3 =	vadd.f32 v7, v3;
	v7 =	vmul.f32 v12, v9  }
0x234: {  	v9 =	vld [tilespmem:s28+$0xFFFFFE30]  }
0x235: {  	v12 =	vld [tilespmem:s31+$0xFFFFFEB0];
	v4 =	vadd.f32 v7, v4;
	v7 =	vmul.f32 v13, v11  }
0x236: {  	v11 =	vld [tilespmem:s28+$0xFFFFFEB0]  }
0x237: {  	v13 =	vld [tilespmem:s31+$0xFFFFFF30];
	v5 =	vadd.f32 v7, v5;
	v7 =	vmul.f32 v10, v8  }
0x238: {  	v8 =	vld [tilespmem:s28+$0xFFFFFF30]  }
0x239: {  	v9 =	vmul.f32 v9, v14;
	v10 =	vld [tilespmem:s31+$0xFFFFFFB0];
	v6 =	vadd.f32 v7, v6  }
0x23a: {  	v7 =	vld [tilespmem:s28+$0xFFFFFFB0]  }
0x23b: {  	v1 =	vadd.f32 v9, v1;
	v9 =	vmul.f32 v11, v12;
	v11 =	vld [tilespmem:s31+$0x30]  }
0x23c: {  	v12 =	vld [tilespmem:s28+$0x30]  }
0x23d: {  	v0 =	vadd.f32 v9, v0;
	v8 =	vmul.f32 v8, v13;
	v9 =	vld [tilespmem:s31+$0xB0]  }
0x23e: {  	v13 =	vld [tilespmem:s28+$0xB0]  }
0x23f: {  	v2 =	vadd.f32 v8, v2;
	v7 =	vmul.f32 v7, v10;
	v8 =	vld [tilespmem:s31+$0x130]  }
0x240: {  	v10 =	vld [tilespmem:s28+$0x130]  }
0x241: {  	v14 =	vld [tilespmem:s31+$0xFFFFFE40];
	v3 =	vadd.f32 v7, v3;
	v7 =	vmul.f32 v12, v11  }
0x242: {  	v11 =	vld [tilespmem:s28+$0xFFFFFE40]  }
0x243: {  	v12 =	vld [tilespmem:s31+$0xFFFFFEC0];
	v4 =	vadd.f32 v7, v4;
	v7 =	vmul.f32 v13, v9  }
0x244: {  	v9 =	vld [tilespmem:s28+$0xFFFFFEC0]  }
0x245: {  	v13 =	vld [tilespmem:s31+$0xFFFFFF40];
	v5 =	vadd.f32 v7, v5;
	v7 =	vmul.f32 v10, v8  }
0x246: {  	v8 =	vld [tilespmem:s28+$0xFFFFFF40]  }
0x247: {  	v10 =	vmul.f32 v11, v14;
	v11 =	vld [tilespmem:s31+$0xFFFFFFC0];
	v6 =	vadd.f32 v7, v6  }
0x248: {  	v7 =	vld [tilespmem:s28+$0xFFFFFFC0]  }
0x249: {  	v1 =	vadd.f32 v10, v1;
	v9 =	vmul.f32 v9, v12;
	v10 =	vld [tilespmem:s31+$0x40]  }
0x24a: {  	v12 =	vld [tilespmem:s28+$0x40]  }
0x24b: {  	v0 =	vadd.f32 v9, v0;
	v8 =	vmul.f32 v8, v13;
	v9 =	vld [tilespmem:s31+$0xC0]  }
0x24c: {  	v13 =	vld [tilespmem:s28+$0xC0]  }
0x24d: {  	v2 =	vadd.f32 v8, v2;
	v7 =	vmul.f32 v7, v11;
	v8 =	vld [tilespmem:s31+$0x140]  }
0x24e: {  	v11 =	vld [tilespmem:s28+$0x140]  }
0x24f: {  	v14 =	vld [tilespmem:s31+$0xFFFFFE50];
	v3 =	vadd.f32 v7, v3;
	v7 =	vmul.f32 v12, v10  }
0x250: {  	v10 =	vld [tilespmem:s28+$0xFFFFFE50]  }
0x251: {  	v12 =	vld [tilespmem:s31+$0xFFFFFED0];
	v4 =	vadd.f32 v7, v4;
	v7 =	vmul.f32 v13, v9  }
0x252: {  	v9 =	vld [tilespmem:s28+$0xFFFFFED0]  }
0x253: {  	v13 =	vld [tilespmem:s31+$0xFFFFFF50];
	v5 =	vadd.f32 v7, v5;
	v7 =	vmul.f32 v11, v8  }
0x254: {  	v8 =	vld [tilespmem:s28+$0xFFFFFF50]  }
0x255: {  	v10 =	vmul.f32 v10, v14;
	v11 =	vld [tilespmem:s31+$0xFFFFFFD0];
	v6 =	vadd.f32 v7, v6  }
0x256: {  	v7 =	vld [tilespmem:s28+$0xFFFFFFD0]  }
0x257: {  	v1 =	vadd.f32 v10, v1;
	v9 =	vmul.f32 v9, v12;
	v10 =	vld [tilespmem:s31+$0x50]  }
0x258: {  	v12 =	vld [tilespmem:s28+$0x50]  }
0x259: {  	v0 =	vadd.f32 v9, v0;
	v8 =	vmul.f32 v8, v13;
	v9 =	vld [tilespmem:s31+$0xD0]  }
0x25a: {  	v13 =	vld [tilespmem:s28+$0xD0]  }
0x25b: {  	v2 =	vadd.f32 v8, v2;
	v7 =	vmul.f32 v7, v11;
	v8 =	vld [tilespmem:s31+$0x150]  }
0x25c: {  	v11 =	vld [tilespmem:s28+$0x150]  }
0x25d: {  	v14 =	vld [tilespmem:s31+$0xFFFFFE60];
	v3 =	vadd.f32 v7, v3;
	v7 =	vmul.f32 v12, v10  }
0x25e: {  	v10 =	vld [tilespmem:s28+$0xFFFFFE60]  }
0x25f: {  	v12 =	vld [tilespmem:s31+$0xFFFFFEE0];
	v4 =	vadd.f32 v7, v4;
	v7 =	vmul.f32 v13, v9  }
0x260: {  	v9 =	vld [tilespmem:s28+$0xFFFFFEE0]  }
0x261: {  	v13 =	vld [tilespmem:s31+$0xFFFFFF60];
	v5 =	vadd.f32 v7, v5;
	v7 =	vmul.f32 v11, v8  }
0x262: {  	v8 =	vld [tilespmem:s28+$0xFFFFFF60]  }
0x263: {  	v10 =	vmul.f32 v10, v14;
	v11 =	vld [tilespmem:s31+$0xFFFFFFE0];
	v6 =	vadd.f32 v7, v6  }
0x264: {  	v7 =	vld [tilespmem:s28+$0xFFFFFFE0]  }
0x265: {  	v10 =	vadd.f32 v10, v1;
	v1 =	vmul.f32 v9, v12;
	v9 =	vld [tilespmem:s31+$0x60]  }
0x266: {  	v12 =	vld [tilespmem:s28+$0x60]  }
0x267: {  	v14 =	vadd.f32 v1, v0;
	v0 =	vmul.f32 v8, v13;
	v1 =	vld [tilespmem:s31+$0xE0]  }
0x268: {  	v8 =	vld [tilespmem:s28+$0xE0]  }
0x269: {  	v13 =	vadd.f32 v0, v2;
	v0 =	vmul.f32 v7, v11;
	v2 =	vld [tilespmem:s31+$0x160]  }
0x26a: {  	v7 =	vld [tilespmem:s28+$0x160]  }
0x26b: {  	v11 =	vld [tilespmem:s31+$0xFFFFFE70];
	v0 =	vadd.f32 v0, v3;
	v3 =	vmul.f32 v12, v9  }
0x26c: {  	v9 =	vld [tilespmem:s28+$0xFFFFFE70]  }
0x26d: {  	v12 =	vld [tilespmem:s31+$0xFFFFFEF0];
	v3 =	vadd.f32 v3, v4;
	v1 =	vmul.f32 v8, v1  }
0x26e: {  	v4 =	vld [tilespmem:s28+$0xFFFFFEF0]  }
0x26f: {  	v8 =	vld [tilespmem:s31+$0xFFFFFF70];
	v1 =	vadd.f32 v1, v5;
	v2 =	vmul.f32 v7, v2  }
0x270: {  	v7 =	vld [tilespmem:s28+$0xFFFFFF70]  }
0x271: {  	v5 =	vmul.f32 v9, v11;
	v9 =	vld [tilespmem:s31+$0xFFFFFFF0];
	v2 =	vadd.f32 v2, v6  }
0x272: {  	v11 =	vld [tilespmem:s28+$0xFFFFFFF0]  }
0x273: {  	v6 =	vadd.f32 v5, v10;
	v10 =	vmul.f32 v4, v12;
	v4 =	vld [tilespmem:s31+$0x70]  }
.Ltmp1:
0x274: {  	v5 =	vld [tilespmem:s28+$0x70];
	(pc) =	sbr.rel @p0 .LBB2_4-.Ltmp1, $4  }
0x275: {  	[tilespmem:s29+$0xFFFFFF90] =	vst v6;
	v10 =	vadd.f32 v10, v14;
	v7 =	vmul.f32 v7, v8;
	v6 =	vld [tilespmem:s31+$0xF0]  }
0x276: {  	v8 =	vld [tilespmem:s28+$0xF0]  }
0x277: {  	[tilespmem:s29+$0xFFFFFFA0] =	vst v10;
	v10 =	vadd.f32 v7, v13;
	v11 =	vmul.f32 v11, v9;
	v7 =	vld [tilespmem:s31+$0x170]  }
0x278: {  	s31 =	sadd.s32 $0x400, s31;
	v9 =	vld [tilespmem:s28+$0x170]  }
0x279: {  	_ =	sdelay $0x1  }
0x27a: {  	v4 =	vmul.f32 v5, v4  }
0x27b: {  	v0 =	vadd.f32 v11, v0;
	v5 =	vmul.f32 v8, v6  }
0x27c: {  	[tilespmem:s29+$0xFFFFFFB0] =	vst v10;
	v3 =	vadd.f32 v4, v3;
	v4 =	vmul.f32 v9, v7  }
0x27d: {  	[tilespmem:s29+$0xFFFFFFC0] =	vst v0;
	v0 =	vadd.f32 v5, v1  }
0x27e: {  	[tilespmem:s29+$0xFFFFFFD0] =	vst v3;
	v1 =	vadd.f32 v4, v2  }
0x27f: {  	[tilespmem:s29+$0xFFFFFFE0] =	vst v0  }
0x280: {  	[tilespmem:s29+$0xFFFFFFF0] =	vst v1  }
0x281: {  	[tilespmem:s14], [sflag:$0x3] =	stream.indirect.gather [hbm4b:s1+s11], $0x80, s23, s11, $0xb8;
	[tilespmem:$0x12400] =	vst v63  }
0x282: {  	_ = 	snop  }
0x283: {  	[tilespmem:s16], [sflag:$0x4] =	stream.indirect.gather [hbm4b:s2+s11], $0x80, s24, s11, $0xb8;
	[tilespmem:$0x12400] =	vst v63  }
0x284: {  	_ =	swait.ge [sflag:s17], $0x4000  }
0x285: {  	[sflag:s17] =	ssyncset.done $0x0  }
0x286: {  	[sflag:s17] =	ssyncadd.s32 $0xFFFFC000  }
0x287: {  	_ =	swait.ge [sflag:s18], $0x4000  }
0x288: {  	[sflag:s18] =	ssyncset.done $0x0  }
0x289: {  	s30 =	simm.s32 $0x600;
	[sflag:s18] =	ssyncadd.s32 $0xFFFFC000  }
0x28a: {  	s28 =	simm.s32 $0x4600;
	v0 =	vld [tilespmem:s30+$0x180]  }
0x28b: {  	v1 =	vld [tilespmem:s28+$0x180]  }
0x28c: {  	v2 =	vld [tilespmem:s30+$0x190]  }
0x28d: {  	v3 =	vld [tilespmem:s28+$0x190]  }
0x28e: {  	v4 =	vld [tilespmem:s30+$0x1A0]  }
0x28f: {  	v5 =	vld [tilespmem:s28+$0x1A0]  }
0x290: {  	v6 =	vld [tilespmem:s30+$0x1B0]  }
0x291: {  	v7 =	vld [tilespmem:s28+$0x1B0]  }
0x292: {  	v8 =	vld [tilespmem:s30+$0x1C0]  }
0x293: {  	v9 =	vld [tilespmem:s28+$0x1C0]  }
0x294: {  	v10 =	vld [tilespmem:s30+$0x1D0]  }
0x295: {  	v16 =	vld [tilespmem:s28+$0xFFFFFE00]  }
0x296: {  	v11 =	vld [tilespmem:s28+$0x1D0]  }
0x297: {  	v12 =	vld [tilespmem:s30+$0x1E0]  }
0x298: {  	v13 =	vld [tilespmem:s28+$0x1E0]  }
0x299: {  	v14 =	vld [tilespmem:s30+$0x1F0]  }
0x29a: {  	v15 =	vld [tilespmem:s28+$0x1F0];
	[tilespmem:$0x1FC70] =	vst v16  }
0x29b: {  	v17 =	vld [tilespmem:s30+$0xFFFFFE10]  }
0x29c: {  	v18 =	vld [tilespmem:s28+$0xFFFFFE10]  }
0x29d: {  	v19 =	vld [tilespmem:s30+$0xFFFFFE80]  }
0x29e: {  	v20 =	vld [tilespmem:s28+$0xFFFFFE80]  }
0x29f: {  	v21 =	vld [tilespmem:s30+$0xFFFFFE90]  }
0x2a0: {  	v22 =	vld [tilespmem:s28+$0xFFFFFE90]  }
0x2a1: {  	v23 =	vld [tilespmem:s30+$0xFFFFFF00]  }
0x2a2: {  	v24 =	vld [tilespmem:s28+$0xFFFFFF00]  }
0x2a3: {  	v25 =	vld [tilespmem:s30+$0xFFFFFF10]  }
0x2a4: {  	v26 =	vld [tilespmem:s28+$0xFFFFFF10]  }
0x2a5: {  	v27 =	vld [tilespmem:s30+$0xFFFFFF80]  }
0x2a6: {  	v28 =	vld [tilespmem:s28+$0xFFFFFF80]  }
0x2a7: {  	v29 =	vld [tilespmem:s30+$0xFFFFFF90]  }
0x2a8: {  	v30 =	vld [tilespmem:s28+$0xFFFFFF90]  }
0x2a9: {  	v31 =	vld [tilespmem:s30+$0x0]  }
0x2aa: {  	v32 =	vld [tilespmem:s28+$0x0]  }
0x2ab: {  	v33 =	vld [tilespmem:s30+$0x10]  }
0x2ac: {  	v34 =	vld [tilespmem:s28+$0x10]  }
0x2ad: {  	v35 =	vld [tilespmem:s30+$0x80]  }
0x2ae: {  	v36 =	vld [tilespmem:s28+$0x80]  }
0x2af: {  	v37 =	vld [tilespmem:s30+$0x90]  }
0x2b0: {  	v38 =	vld [tilespmem:s28+$0x90]  }
0x2b1: {  	v39 =	vld [tilespmem:s30+$0x100]  }
0x2b2: {  	v40 =	vld [tilespmem:s28+$0x100]  }
0x2b3: {  	v41 =	vld [tilespmem:s30+$0x110]  }
0x2b4: {  	v42 =	vld [tilespmem:s28+$0x110]  }
0x2b5: {  	v43 =	vld [tilespmem:s30+$0xFFFFFE00]  }
0x2b6: {  	v44 =	vld [tilespmem:s30+$0xFFFFFE20]  }
0x2b7: {  	v45 =	vld [tilespmem:s28+$0xFFFFFE20]  }
0x2b8: {  	v46 =	vld [tilespmem:s30+$0xFFFFFEA0]  }
0x2b9: {  	v47 =	vld [tilespmem:s28+$0xFFFFFEA0]  }
0x2ba: {  	v48 =	vld [tilespmem:s30+$0xFFFFFF20]  }
0x2bb: {  	v49 =	vld [tilespmem:s28+$0xFFFFFF20]  }
0x2bc: {  	v50 =	vld [tilespmem:s30+$0xFFFFFFA0]  }
0x2bd: {  	v51 =	vld [tilespmem:s28+$0xFFFFFFA0]  }
0x2be: {  	v52 =	vld [tilespmem:s30+$0x20]  }
0x2bf: {  	v53 =	vld [tilespmem:s28+$0x20]  }
0x2c0: {  	v54 =	vld [tilespmem:s30+$0xA0]  }
0x2c1: {  	v55 =	vld [tilespmem:s28+$0xA0]  }
0x2c2: {  	v56 =	vld [tilespmem:s30+$0x120]  }
0x2c3: {  	v16 =	vld [tilespmem:s30+$0xFFFFFF30]  }
0x2c4: {  	v57 =	vld [tilespmem:s28+$0x120]  }
0x2c5: {  	v58 =	vld [tilespmem:s30+$0xFFFFFE30]  }
0x2c6: {  	v59 =	vld [tilespmem:s28+$0xFFFFFE30]  }
0x2c7: {  	v60 =	vld [tilespmem:s30+$0xFFFFFEB0]  }
0x2c8: {  	v61 =	vld [tilespmem:s28+$0xFFFFFEB0];
	[tilespmem:$0x1FC80] =	vst v16  }
0x2c9: {  	v16 =	vld [tilespmem:s30+$0xFFFFFFB0];
	_ =	sdelay $0x4  }
0x2ca: {  	v63 =	vld [tilespmem:s28+$0xFFFFFF30];
	[tilespmem:$0x1FC90] =	vst v16  }
0x2cb: {  	v16 =	vld [tilespmem:s28+$0xFFFFFFB0];
	_ =	sdelay $0x4  }
0x2cc: {  	[tilespmem:$0x1FCA0] =	vst v16  }
0x2cd: {  	v16 =	vld [tilespmem:s30+$0x30];
	_ =	sdelay $0x4  }
0x2ce: {  	[tilespmem:$0x1FCB0] =	vst v16  }
0x2cf: {  	v16 =	vld [tilespmem:s28+$0x30];
	_ =	sdelay $0x4  }
0x2d0: {  	[tilespmem:$0x1FCC0] =	vst v16  }
0x2d1: {  	v16 =	vld [tilespmem:s30+$0xB0];
	_ =	sdelay $0x4  }
0x2d2: {  	[tilespmem:$0x1FCD0] =	vst v16  }
0x2d3: {  	v16 =	vld [tilespmem:s28+$0xB0];
	_ =	sdelay $0x4  }
0x2d4: {  	[tilespmem:$0x1FCE0] =	vst v16  }
0x2d5: {  	v16 =	vld [tilespmem:s30+$0x130];
	_ =	sdelay $0x4  }
0x2d6: {  	[tilespmem:$0x1FCF0] =	vst v16  }
0x2d7: {  	v16 =	vld [tilespmem:s30+$0xFFFFFE40];
	_ =	sdelay $0x4  }
0x2d8: {  	v62 =	vld [tilespmem:s28+$0x130];
	[tilespmem:$0x1FD00] =	vst v16  }
0x2d9: {  	v16 =	vld [tilespmem:s28+$0xFFFFFE40];
	_ =	sdelay $0x4  }
0x2da: {  	[tilespmem:$0x1FD10] =	vst v16  }
0x2db: {  	v16 =	vld [tilespmem:s30+$0xFFFFFEC0];
	_ =	sdelay $0x4  }
0x2dc: {  	[tilespmem:$0x1FD20] =	vst v16  }
0x2dd: {  	v16 =	vld [tilespmem:s28+$0xFFFFFEC0];
	_ =	sdelay $0x4  }
0x2de: {  	[tilespmem:$0x1FD30] =	vst v16  }
0x2df: {  	v16 =	vld [tilespmem:s30+$0xFFFFFF40];
	_ =	sdelay $0x4  }
0x2e0: {  	[tilespmem:$0x1FD40] =	vst v16  }
0x2e1: {  	v16 =	vld [tilespmem:s28+$0xFFFFFF40];
	_ =	sdelay $0x3  }
0x2e2: {  	v0 =	vmul.f32 v1, v0;
	v1 =	vmul.f32 v3, v2  }
0x2e3: {  	[tilespmem:$0x1FD50] =	vst v16  }
0x2e4: {  	v0 =	vadd.f32 v1, v0;
	v1 =	vmul.f32 v5, v4;
	v16 =	vld [tilespmem:s30+$0xFFFFFFC0];
	_ =	sdelay $0x1  }
0x2e5: {  	v0 =	vadd.f32 v1, v0;
	v1 =	vmul.f32 v7, v6;
	v37 =	vmul.f32 v38, v37  }
0x2e6: {  	v38 =	vld [tilespmem:$0x1FC70];
	v39 =	vmul.f32 v40, v39;
	v40 =	vmul.f32 v42, v41  }
0x2e7: {  	v41 =	vmul.f32 v45, v44;
	v44 =	vmul.f32 v51, v50;
	v50 =	vld [tilespmem:$0x1FC80]  }
0x2e8: {  	v45 =	vmul.f32 v53, v52;
	v52 =	vld [tilespmem:$0x1FC90];
	[tilespmem:$0x1FD60] =	vst v16  }
0x2e9: {  	v0 =	vadd.f32 v1, v0;
	v1 =	vmul.f32 v9, v8;
	v16 =	vld [tilespmem:s28+$0xFFFFFFC0]  }
0x2ea: {  	v42 =	vmul.f32 v47, v46;
	v53 =	vld [tilespmem:$0x1FCA0]  }
0x2eb: {  	v46 =	vmul.f32 v55, v54;
	v0 =	vadd.f32 v1, v0;
	v1 =	vmul.f32 v11, v10;
	v54 =	vld [tilespmem:$0x1FCB0]  }
0x2ec: {  	v28 =	vmul.f32 v28, v27;
	v47 =	vmul.f32 v57, v56;
	v55 =	vld [tilespmem:$0x1FCC0]  }
0x2ed: {  	v0 =	vadd.f32 v1, v0;
	v1 =	vmul.f32 v13, v12;
	v27 =	vmul.f32 v38, v43;
	v56 =	vld [tilespmem:$0x1FCD0]  }
0x2ee: {  	v43 =	vmul.f32 v49, v48;
	v48 =	vmul.f32 v59, v58;
	v58 =	vld [tilespmem:$0x1FCF0];
	[tilespmem:$0x1FD70] =	vst v16  }
0x2ef: {  	v32 =	vmul.f32 v32, v31;
	v16 =	vld [tilespmem:s30+$0x40]  }
0x2f0: {  	v34 =	vmul.f32 v34, v33;
	v13 =	vmul.f32 v15, v14;
	v0 =	vadd.f32 v1, v0;
	v57 =	vld [tilespmem:$0x1FCE0]  }
0x2f1: {  	v15 =	vmul.f32 v20, v19;
	v19 =	vmul.f32 v24, v23;
	v59 =	vld [tilespmem:$0x1FD00]  }
0x2f2: {  	v49 =	vmul.f32 v61, v60;
	v13 =	vadd.f32 v13, v0;
	v0 =	vmul.f32 v26, v25;
	v60 =	vld [tilespmem:$0x1FD10]  }
0x2f3: {  	v36 =	vmul.f32 v36, v35;
	v1 =	vmul.f32 v18, v17;
	v61 =	vld [tilespmem:$0x1FD20]  }
0x2f4: {  	v0 =	vadd.f32 v0, v19;
	v19 =	vadd.f32 v34, v32;
	v38 =	vmul.f32 v62, v58;
	v62 =	vld [tilespmem:$0x1FD30];
	[tilespmem:$0x1FD80] =	vst v16  }
0x2f5: {  	v18 =	vmul.f32 v22, v21;
	v21 =	vadd.f32 v37, v36;
	v1 =	vadd.f32 v1, v27;
	v16 =	vld [tilespmem:s28+$0x40]  }
0x2f6: {  	v23 =	vadd.f32 v40, v39;
	v19 =	vadd.f32 v45, v19;
	v45 =	vld [tilespmem:$0x1FD40]  }
0x2f7: {  	v21 =	vadd.f32 v46, v21;
	v1 =	vadd.f32 v41, v1;
	v46 =	vld [tilespmem:$0x1FD50]  }
0x2f8: {  	v23 =	vadd.f32 v47, v23;
	v47 =	vld [tilespmem:$0x1FD60]  }
0x2f9: {  	v1 =	vadd.f32 v48, v1;
	v48 =	vld [tilespmem:$0x1FD70]  }
0x2fa: {  	v51 =	vmul.f32 v63, v50;
	v50 =	vld [tilespmem:$0x1FD80];
	[tilespmem:$0x1FD90] =	vst v16  }
0x2fb: {  	v2 =	vld [tilespmem:s30+$0xC0]  }
0x2fc: {  	v3 =	vld [tilespmem:s28+$0xC0]  }
0x2fd: {  	v4 =	vld [tilespmem:s30+$0x140]  }
0x2fe: {  	v5 =	vld [tilespmem:s28+$0x140]  }
0x2ff: {  	v6 =	vld [tilespmem:s30+$0xFFFFFE50]  }
0x300: {  	v7 =	vld [tilespmem:s28+$0xFFFFFE50]  }
0x301: {  	v8 =	vld [tilespmem:s30+$0xFFFFFED0]  }
0x302: {  	v9 =	vld [tilespmem:s28+$0xFFFFFED0]  }
0x303: {  	v10 =	vld [tilespmem:s30+$0xFFFFFF50]  }
0x304: {  	v11 =	vld [tilespmem:s28+$0xFFFFFF50]  }
0x305: {  	v12 =	vld [tilespmem:s30+$0xFFFFFFD0]  }
0x306: {  	v14 =	vld [tilespmem:s28+$0xFFFFFFD0]  }
0x307: {  	v17 =	vld [tilespmem:s30+$0x50]  }
0x308: {  	v20 =	vld [tilespmem:s28+$0x50]  }
0x309: {  	v22 =	vld [tilespmem:s30+$0xD0]  }
0x30a: {  	v30 =	vmul.f32 v30, v29;
	v24 =	vld [tilespmem:s28+$0xD0]  }
0x30b: {  	v26 =	vld [tilespmem:s30+$0x150]  }
0x30c: {  	v15 =	vadd.f32 v18, v15;
	v18 =	vadd.f32 v30, v28;
	v28 =	vld [tilespmem:s28+$0x150]  }
0x30d: {  	v30 =	vld [tilespmem:s30+$0xFFFFFE60]  }
0x30e: {  	v32 =	vld [tilespmem:s28+$0xFFFFFE60]  }
0x30f: {  	v29 =	vld [tilespmem:s30+$0xFFFFFEE0]  }
0x310: {  	v31 =	vld [tilespmem:s28+$0xFFFFFEE0]  }
0x311: {  	v34 =	vld [tilespmem:s30+$0xFFFFFF60]  }
0x312: {  	v36 =	vld [tilespmem:s28+$0xFFFFFF60]  }
0x313: {  	v0 =	vadd.f32 v43, v0;
	v33 =	vld [tilespmem:s30+$0xFFFFFFE0]  }
0x314: {  	v35 =	vld [tilespmem:s28+$0xFFFFFFE0]  }
0x315: {  	v15 =	vadd.f32 v42, v15;
	v0 =	vadd.f32 v51, v0;
	v27 =	vmul.f32 v57, v56;
	v51 =	vld [tilespmem:$0x1FD90]  }
0x316: {  	v18 =	vadd.f32 v44, v18;
	v25 =	vmul.f32 v53, v52;
	v16 =	vmul.f32 v55, v54;
	v37 =	vld [tilespmem:s30+$0x60]  }
0x317: {  	v15 =	vadd.f32 v49, v15;
	v21 =	vadd.f32 v27, v21;
	v27 =	vmul.f32 v62, v61;
	v39 =	vld [tilespmem:s28+$0x60]  }
0x318: {  	v18 =	vadd.f32 v25, v18;
	v25 =	vld [tilespmem:s30+$0xE0];
	v16 =	vadd.f32 v16, v19;
	v19 =	vmul.f32 v60, v59  }
0x319: {  	v15 =	vadd.f32 v27, v15;
	v40 =	vmul.f32 v48, v47;
	v63 =	vld [tilespmem:s28+$0xE0]  }
0x31a: {  	v49 =	vld [tilespmem:s30+$0x160];
	v1 =	vadd.f32 v19, v1;
	v19 =	vmul.f32 v46, v45;
	v27 =	vmul.f32 v51, v50  }
0x31b: {  	v52 =	vld [tilespmem:s28+$0xFFFFFEF0];
	v2 =	vmul.f32 v3, v2;
	v4 =	vmul.f32 v5, v4  }
0x31c: {  	v23 =	vadd.f32 v38, v23;
	v53 =	vld [tilespmem:s30+$0xFFFFFF70];
	v6 =	vmul.f32 v7, v6;
	v8 =	vmul.f32 v9, v8  }
0x31d: {  	v18 =	vadd.f32 v40, v18;
	v55 =	vld [tilespmem:s28+$0xFFFFFF70];
	v9 =	vmul.f32 v11, v10;
	v11 =	vmul.f32 v20, v17  }
0x31e: {  	v0 =	vadd.f32 v19, v0;
	v5 =	vld [tilespmem:s30+$0xFFFFFE70];
	v54 =	vmul.f32 v28, v26;
	v56 =	vmul.f32 v31, v29  }
0x31f: {  	v10 =	vld [tilespmem:s30+$0xFFFFFEF0];
	v58 =	vmul.f32 v36, v34;
	v59 =	vmul.f32 v35, v33;
	v16 =	vadd.f32 v27, v16  }
0x320: {  	v7 =	vld [tilespmem:s28+$0xFFFFFE70];
	v2 =	vadd.f32 v2, v21;
	v1 =	vadd.f32 v6, v1;
	v6 =	vmul.f32 v14, v12  }
0x321: {  	v57 =	vld [tilespmem:s30+$0xFFFFFFF0];
	v4 =	vadd.f32 v4, v23;
	v0 =	vadd.f32 v9, v0;
	v9 =	vmul.f32 v24, v22  }
0x322: {  	v3 =	vld [tilespmem:s28+$0x160];
	v61 =	vmul.f32 v39, v37;
	v8 =	vadd.f32 v8, v15;
	v6 =	vadd.f32 v6, v18  }
0x323: {  	v60 =	vld [tilespmem:s28+$0xFFFFFFF0];
	v11 =	vadd.f32 v11, v16;
	v2 =	vadd.f32 v9, v2;
	v9 =	vmul.f32 v32, v30  }
0x324: {  	v15 =	vadd.f32 v54, v4;
	v8 =	vadd.f32 v56, v8;
	v4 =	vld [tilespmem:s30+$0x70];
	v10 =	vmul.f32 v52, v10  }
0x325: {  	v7 =	vmul.f32 v7, v5;
	v5 =	vld [tilespmem:s28+$0x70];
	v1 =	vadd.f32 v9, v1;
	v9 =	vadd.f32 v58, v0  }
0x326: {  	s29 =	simm.s32 $0x10570;
	v14 =	vmul.f32 v55, v53;
	v0 =	vadd.f32 v59, v6;
	v6 =	vld [tilespmem:s30+$0xF0];
	v10 =	vadd.f32 v10, v8  }
0x327: {  	[tilespmem:s29+$0x0] =	vst v13;
	v62 =	vmul.f32 v63, v25;
	v63 =	vmul.f32 v3, v49;
	v8 =	vld [tilespmem:s28+$0xF0];
	v7 =	vadd.f32 v7, v1  }
0x328: {  	v3 =	vadd.f32 v61, v11;
	v11 =	vmul.f32 v60, v57;
	[tilespmem:s29+$0xFFFFFFA0] =	vst v10;
	v10 =	vadd.f32 v14, v9;
	v9 =	vld [tilespmem:s28+$0x170]  }
0x329: {  	s31 =	simm.s32 $0xA00;
	v1 =	vadd.f32 v62, v2;
	v2 =	vadd.f32 v63, v15;
	[tilespmem:s29+$0xFFFFFF90] =	vst v7;
	v7 =	vld [tilespmem:s30+$0x170];
	s30 =	simm.s32 $0x0  }
.LBB2_6:
0x32a: {  	v12 =	vld [tilespmem:s31+$0x180];
	[tilespmem:s29+$0xFFFFFFB0] =	vst v10;
	v0 =	vadd.f32 v11, v0;
	v4 =	vmul.f32 v5, v4;
	s28 =	sadd.s32 $0x400, s28  }
0x32b: {  	v5 =	vld [tilespmem:s28+$0x180]  }
0x32c: {  	v10 =	vld [tilespmem:s31+$0x190];
	[tilespmem:s29+$0xFFFFFFC0] =	vst v0;
	v0 =	vadd.f32 v4, v3;
	v3 =	vmul.f32 v8, v6  }
0x32d: {  	s30 =	sadd.s32 $0x8, s30;
	v4 =	vld [tilespmem:s28+$0x190]  }
0x32e: {  	p0 =	slt.u32 s30, $0x78;
	v6 =	vld [tilespmem:s31+$0x1A0];
	[tilespmem:s29+$0xFFFFFFD0] =	vst v0;
	v0 =	vadd.f32 v3, v1;
	v1 =	vmul.f32 v9, v7  }
0x32f: {  	v3 =	vld [tilespmem:s28+$0x1A0]  }
0x330: {  	v7 =	vld [tilespmem:s31+$0x1B0];
	[tilespmem:s29+$0xFFFFFFE0] =	vst v0;
	v0 =	vadd.f32 v1, v2  }
0x331: {  	v1 =	vld [tilespmem:s28+$0x1B0]  }
0x332: {  	v2 =	vmul.f32 v5, v12;
	v4 =	vmul.f32 v4, v10;
	v5 =	vld [tilespmem:s31+$0x1C0];
	[tilespmem:s29+$0xFFFFFFF0] =	vst v0  }
0x333: {  	v0 =	vld [tilespmem:s28+$0x1C0]  }
0x334: {  	v2 =	vadd.f32 v4, v2;
	v3 =	vmul.f32 v3, v6;
	v4 =	vld [tilespmem:s31+$0x1D0]  }
0x335: {  	v6 =	vld [tilespmem:s28+$0x1D0]  }
0x336: {  	v2 =	vadd.f32 v3, v2;
	v1 =	vmul.f32 v1, v7;
	v3 =	vld [tilespmem:s31+$0x1E0]  }
0x337: {  	v7 =	vld [tilespmem:s28+$0x1E0]  }
0x338: {  	v1 =	vadd.f32 v1, v2;
	v0 =	vmul.f32 v0, v5;
	v2 =	vld [tilespmem:s31+$0x1F0]  }
0x339: {  	v5 =	vld [tilespmem:s28+$0x1F0]  }
0x33a: {  	v8 =	vld [tilespmem:s28+$0xFFFFFE00];
	v0 =	vadd.f32 v0, v1;
	v1 =	vmul.f32 v6, v4  }
0x33b: {  	v4 =	vld [tilespmem:s31+$0xFFFFFE10]  }
0x33c: {  	v6 =	vld [tilespmem:s28+$0xFFFFFE10];
	v0 =	vadd.f32 v1, v0;
	v1 =	vmul.f32 v7, v3  }
0x33d: {  	v3 =	vld [tilespmem:s31+$0xFFFFFE80]  }
0x33e: {  	v7 =	vld [tilespmem:s28+$0xFFFFFE80];
	v0 =	vadd.f32 v1, v0;
	v1 =	vmul.f32 v5, v2  }
0x33f: {  	v2 =	vld [tilespmem:s31+$0xFFFFFE90]  }
0x340: {  	v5 =	vld [tilespmem:s28+$0xFFFFFE90];
	v0 =	vadd.f32 v1, v0  }
0x341: {  	s29 =	sadd.s32 $0x200, s29;
	v1 =	vmul.f32 v6, v4;
	v4 =	vld [tilespmem:s31+$0xFFFFFF00]  }
0x342: {  	v6 =	vld [tilespmem:s28+$0xFFFFFF00];
	[tilespmem:s29+$0x0] =	vst v0  }
0x343: {  	v0 =	vmul.f32 v7, v3;
	v3 =	vld [tilespmem:s31+$0xFFFFFF10]  }
0x344: {  	v7 =	vld [tilespmem:s28+$0xFFFFFF10]  }
0x345: {  	v2 =	vmul.f32 v5, v2;
	v5 =	vld [tilespmem:s31+$0xFFFFFF80]  }
0x346: {  	v9 =	vld [tilespmem:s28+$0xFFFFFF80]  }
0x347: {  	v0 =	vadd.f32 v2, v0;
	v2 =	vmul.f32 v6, v4;
	v4 =	vld [tilespmem:s31+$0xFFFFFF90]  }
0x348: {  	v6 =	vld [tilespmem:s28+$0xFFFFFF90]  }
0x349: {  	v3 =	vmul.f32 v7, v3;
	v7 =	vld [tilespmem:s31+$0x0]  }
0x34a: {  	v10 =	vld [tilespmem:s28+$0x0]  }
0x34b: {  	v2 =	vadd.f32 v3, v2;
	v3 =	vmul.f32 v9, v5;
	v5 =	vld [tilespmem:s31+$0x10]  }
0x34c: {  	v9 =	vld [tilespmem:s28+$0x10]  }
0x34d: {  	v4 =	vmul.f32 v6, v4;
	v6 =	vld [tilespmem:s31+$0x80]  }
0x34e: {  	v11 =	vld [tilespmem:s28+$0x80]  }
0x34f: {  	v3 =	vadd.f32 v4, v3;
	v4 =	vmul.f32 v10, v7;
	v7 =	vld [tilespmem:s31+$0x90]  }
0x350: {  	v10 =	vld [tilespmem:s28+$0x90]  }
0x351: {  	v5 =	vmul.f32 v9, v5;
	v9 =	vld [tilespmem:s31+$0x100]  }
0x352: {  	v12 =	vld [tilespmem:s28+$0x100]  }
0x353: {  	v4 =	vadd.f32 v5, v4;
	v5 =	vmul.f32 v11, v6;
	v6 =	vld [tilespmem:s31+$0x110]  }
0x354: {  	v11 =	vld [tilespmem:s28+$0x110]  }
0x355: {  	v13 =	vld [tilespmem:s31+$0xFFFFFE00];
	v7 =	vmul.f32 v10, v7  }
0x356: {  	v10 =	vld [tilespmem:s31+$0xFFFFFE20]  }
0x357: {  	v14 =	vld [tilespmem:s28+$0xFFFFFE20];
	v5 =	vadd.f32 v7, v5;
	v7 =	vmul.f32 v12, v9  }
0x358: {  	v9 =	vld [tilespmem:s31+$0xFFFFFEA0]  }
0x359: {  	v12 =	vld [tilespmem:s28+$0xFFFFFEA0];
	v6 =	vmul.f32 v11, v6  }
0x35a: {  	v8 =	vmul.f32 v8, v13;
	v11 =	vld [tilespmem:s31+$0xFFFFFF20]  }
0x35b: {  	v13 =	vld [tilespmem:s28+$0xFFFFFF20];
	v6 =	vadd.f32 v6, v7  }
0x35c: {  	v1 =	vadd.f32 v1, v8;
	v7 =	vmul.f32 v14, v10;
	v8 =	vld [tilespmem:s31+$0xFFFFFFA0]  }
0x35d: {  	v10 =	vld [tilespmem:s28+$0xFFFFFFA0]  }
0x35e: {  	v1 =	vadd.f32 v7, v1;
	v7 =	vmul.f32 v12, v9;
	v9 =	vld [tilespmem:s31+$0x20]  }
0x35f: {  	v12 =	vld [tilespmem:s28+$0x20]  }
0x360: {  	v0 =	vadd.f32 v7, v0;
	v7 =	vmul.f32 v13, v11;
	v11 =	vld [tilespmem:s31+$0xA0]  }
0x361: {  	v13 =	vld [tilespmem:s28+$0xA0]  }
0x362: {  	v2 =	vadd.f32 v7, v2;
	v7 =	vmul.f32 v10, v8;
	v8 =	vld [tilespmem:s31+$0x120]  }
0x363: {  	v10 =	vld [tilespmem:s28+$0x120]  }
0x364: {  	v14 =	vld [tilespmem:s31+$0xFFFFFE30];
	v3 =	vadd.f32 v7, v3;
	v7 =	vmul.f32 v12, v9  }
0x365: {  	v9 =	vld [tilespmem:s28+$0xFFFFFE30]  }
0x366: {  	v12 =	vld [tilespmem:s31+$0xFFFFFEB0];
	v4 =	vadd.f32 v7, v4;
	v7 =	vmul.f32 v13, v11  }
0x367: {  	v11 =	vld [tilespmem:s28+$0xFFFFFEB0]  }
0x368: {  	v13 =	vld [tilespmem:s31+$0xFFFFFF30];
	v5 =	vadd.f32 v7, v5;
	v7 =	vmul.f32 v10, v8  }
0x369: {  	v8 =	vld [tilespmem:s28+$0xFFFFFF30]  }
0x36a: {  	v9 =	vmul.f32 v9, v14;
	v10 =	vld [tilespmem:s31+$0xFFFFFFB0];
	v6 =	vadd.f32 v7, v6  }
0x36b: {  	v7 =	vld [tilespmem:s28+$0xFFFFFFB0]  }
0x36c: {  	v1 =	vadd.f32 v9, v1;
	v9 =	vmul.f32 v11, v12;
	v11 =	vld [tilespmem:s31+$0x30]  }
0x36d: {  	v12 =	vld [tilespmem:s28+$0x30]  }
0x36e: {  	v0 =	vadd.f32 v9, v0;
	v8 =	vmul.f32 v8, v13;
	v9 =	vld [tilespmem:s31+$0xB0]  }
0x36f: {  	v13 =	vld [tilespmem:s28+$0xB0]  }
0x370: {  	v2 =	vadd.f32 v8, v2;
	v7 =	vmul.f32 v7, v10;
	v8 =	vld [tilespmem:s31+$0x130]  }
0x371: {  	v10 =	vld [tilespmem:s28+$0x130]  }
0x372: {  	v14 =	vld [tilespmem:s31+$0xFFFFFE40];
	v3 =	vadd.f32 v7, v3;
	v7 =	vmul.f32 v12, v11  }
0x373: {  	v11 =	vld [tilespmem:s28+$0xFFFFFE40]  }
0x374: {  	v12 =	vld [tilespmem:s31+$0xFFFFFEC0];
	v4 =	vadd.f32 v7, v4;
	v7 =	vmul.f32 v13, v9  }
0x375: {  	v9 =	vld [tilespmem:s28+$0xFFFFFEC0]  }
0x376: {  	v13 =	vld [tilespmem:s31+$0xFFFFFF40];
	v5 =	vadd.f32 v7, v5;
	v7 =	vmul.f32 v10, v8  }
0x377: {  	v8 =	vld [tilespmem:s28+$0xFFFFFF40]  }
0x378: {  	v10 =	vmul.f32 v11, v14;
	v11 =	vld [tilespmem:s31+$0xFFFFFFC0];
	v6 =	vadd.f32 v7, v6  }
0x379: {  	v7 =	vld [tilespmem:s28+$0xFFFFFFC0]  }
0x37a: {  	v1 =	vadd.f32 v10, v1;
	v9 =	vmul.f32 v9, v12;
	v10 =	vld [tilespmem:s31+$0x40]  }
0x37b: {  	v12 =	vld [tilespmem:s28+$0x40]  }
0x37c: {  	v0 =	vadd.f32 v9, v0;
	v8 =	vmul.f32 v8, v13;
	v9 =	vld [tilespmem:s31+$0xC0]  }
0x37d: {  	v13 =	vld [tilespmem:s28+$0xC0]  }
0x37e: {  	v2 =	vadd.f32 v8, v2;
	v7 =	vmul.f32 v7, v11;
	v8 =	vld [tilespmem:s31+$0x140]  }
0x37f: {  	v11 =	vld [tilespmem:s28+$0x140]  }
0x380: {  	v14 =	vld [tilespmem:s31+$0xFFFFFE50];
	v3 =	vadd.f32 v7, v3;
	v7 =	vmul.f32 v12, v10  }
0x381: {  	v10 =	vld [tilespmem:s28+$0xFFFFFE50]  }
0x382: {  	v12 =	vld [tilespmem:s31+$0xFFFFFED0];
	v4 =	vadd.f32 v7, v4;
	v7 =	vmul.f32 v13, v9  }
0x383: {  	v9 =	vld [tilespmem:s28+$0xFFFFFED0]  }
0x384: {  	v13 =	vld [tilespmem:s31+$0xFFFFFF50];
	v5 =	vadd.f32 v7, v5;
	v7 =	vmul.f32 v11, v8  }
0x385: {  	v8 =	vld [tilespmem:s28+$0xFFFFFF50]  }
0x386: {  	v10 =	vmul.f32 v10, v14;
	v11 =	vld [tilespmem:s31+$0xFFFFFFD0];
	v6 =	vadd.f32 v7, v6  }
0x387: {  	v7 =	vld [tilespmem:s28+$0xFFFFFFD0]  }
0x388: {  	v1 =	vadd.f32 v10, v1;
	v9 =	vmul.f32 v9, v12;
	v10 =	vld [tilespmem:s31+$0x50]  }
0x389: {  	v12 =	vld [tilespmem:s28+$0x50]  }
0x38a: {  	v0 =	vadd.f32 v9, v0;
	v8 =	vmul.f32 v8, v13;
	v9 =	vld [tilespmem:s31+$0xD0]  }
0x38b: {  	v13 =	vld [tilespmem:s28+$0xD0]  }
0x38c: {  	v2 =	vadd.f32 v8, v2;
	v7 =	vmul.f32 v7, v11;
	v8 =	vld [tilespmem:s31+$0x150]  }
0x38d: {  	v11 =	vld [tilespmem:s28+$0x150]  }
0x38e: {  	v14 =	vld [tilespmem:s31+$0xFFFFFE60];
	v3 =	vadd.f32 v7, v3;
	v7 =	vmul.f32 v12, v10  }
0x38f: {  	v10 =	vld [tilespmem:s28+$0xFFFFFE60]  }
0x390: {  	v12 =	vld [tilespmem:s31+$0xFFFFFEE0];
	v4 =	vadd.f32 v7, v4;
	v7 =	vmul.f32 v13, v9  }
0x391: {  	v9 =	vld [tilespmem:s28+$0xFFFFFEE0]  }
0x392: {  	v13 =	vld [tilespmem:s31+$0xFFFFFF60];
	v5 =	vadd.f32 v7, v5;
	v7 =	vmul.f32 v11, v8  }
0x393: {  	v8 =	vld [tilespmem:s28+$0xFFFFFF60]  }
0x394: {  	v10 =	vmul.f32 v10, v14;
	v11 =	vld [tilespmem:s31+$0xFFFFFFE0];
	v6 =	vadd.f32 v7, v6  }
0x395: {  	v7 =	vld [tilespmem:s28+$0xFFFFFFE0]  }
0x396: {  	v10 =	vadd.f32 v10, v1;
	v1 =	vmul.f32 v9, v12;
	v9 =	vld [tilespmem:s31+$0x60]  }
0x397: {  	v12 =	vld [tilespmem:s28+$0x60]  }
0x398: {  	v14 =	vadd.f32 v1, v0;
	v0 =	vmul.f32 v8, v13;
	v1 =	vld [tilespmem:s31+$0xE0]  }
0x399: {  	v8 =	vld [tilespmem:s28+$0xE0]  }
0x39a: {  	v13 =	vadd.f32 v0, v2;
	v0 =	vmul.f32 v7, v11;
	v2 =	vld [tilespmem:s31+$0x160]  }
0x39b: {  	v7 =	vld [tilespmem:s28+$0x160]  }
0x39c: {  	v11 =	vld [tilespmem:s31+$0xFFFFFE70];
	v0 =	vadd.f32 v0, v3;
	v3 =	vmul.f32 v12, v9  }
0x39d: {  	v9 =	vld [tilespmem:s28+$0xFFFFFE70]  }
0x39e: {  	v12 =	vld [tilespmem:s31+$0xFFFFFEF0];
	v3 =	vadd.f32 v3, v4;
	v1 =	vmul.f32 v8, v1  }
0x39f: {  	v4 =	vld [tilespmem:s28+$0xFFFFFEF0]  }
0x3a0: {  	v8 =	vld [tilespmem:s31+$0xFFFFFF70];
	v1 =	vadd.f32 v1, v5;
	v2 =	vmul.f32 v7, v2  }
0x3a1: {  	v7 =	vld [tilespmem:s28+$0xFFFFFF70]  }
0x3a2: {  	v5 =	vmul.f32 v9, v11;
	v9 =	vld [tilespmem:s31+$0xFFFFFFF0];
	v2 =	vadd.f32 v2, v6  }
0x3a3: {  	v11 =	vld [tilespmem:s28+$0xFFFFFFF0]  }
0x3a4: {  	v6 =	vadd.f32 v5, v10;
	v10 =	vmul.f32 v4, v12;
	v4 =	vld [tilespmem:s31+$0x70]  }
.Ltmp2:
0x3a5: {  	v5 =	vld [tilespmem:s28+$0x70];
	(pc) =	sbr.rel @p0 .LBB2_6-.Ltmp2, $4  }
0x3a6: {  	[tilespmem:s29+$0xFFFFFF90] =	vst v6;
	v10 =	vadd.f32 v10, v14;
	v7 =	vmul.f32 v7, v8;
	v6 =	vld [tilespmem:s31+$0xF0]  }
0x3a7: {  	v8 =	vld [tilespmem:s28+$0xF0]  }
0x3a8: {  	[tilespmem:s29+$0xFFFFFFA0] =	vst v10;
	v10 =	vadd.f32 v7, v13;
	v11 =	vmul.f32 v11, v9;
	v7 =	vld [tilespmem:s31+$0x170]  }
0x3a9: {  	s31 =	sadd.s32 $0x400, s31;
	v9 =	vld [tilespmem:s28+$0x170]  }
0x3aa: {  	_ =	sdelay $0x1  }
0x3ab: {  	v4 =	vmul.f32 v5, v4  }
0x3ac: {  	v0 =	vadd.f32 v11, v0;
	v5 =	vmul.f32 v8, v6  }
0x3ad: {  	[tilespmem:s29+$0xFFFFFFB0] =	vst v10;
	v3 =	vadd.f32 v4, v3;
	v4 =	vmul.f32 v9, v7  }
0x3ae: {  	[tilespmem:s29+$0xFFFFFFC0] =	vst v0;
	v0 =	vadd.f32 v5, v1  }
0x3af: {  	[tilespmem:s29+$0xFFFFFFD0] =	vst v3;
	v1 =	vadd.f32 v4, v2  }
0x3b0: {  	[tilespmem:s29+$0xFFFFFFE0] =	vst v0  }
0x3b1: {  	[tilespmem:s29+$0xFFFFFFF0] =	vst v1  }
0x3b2: {  	_ =	swait.ge [sflag:s21], $0x4000  }
0x3b3: {  	[sflag:s21] =	ssyncset.done $0x0  }
0x3b4: {  	[sflag:s21] =	ssyncadd.s32 $0xFFFFC000  }
0x3b5: {  	_ =	swait.ge [sflag:s22], $0x4000  }
0x3b6: {  	[sflag:s22] =	ssyncset.done $0x0  }
0x3b7: {  	s30 =	simm.s32 $0x8600;
	[sflag:s22] =	ssyncadd.s32 $0xFFFFC000  }
0x3b8: {  	s28 =	simm.s32 $0xC600;
	v0 =	vld [tilespmem:s30+$0x180]  }
0x3b9: {  	v1 =	vld [tilespmem:s28+$0x180]  }
0x3ba: {  	v2 =	vld [tilespmem:s30+$0x190]  }
0x3bb: {  	v3 =	vld [tilespmem:s28+$0x190]  }
0x3bc: {  	v4 =	vld [tilespmem:s30+$0x1A0]  }
0x3bd: {  	v5 =	vld [tilespmem:s28+$0x1A0]  }
0x3be: {  	v6 =	vld [tilespmem:s30+$0x1B0]  }
0x3bf: {  	v7 =	vld [tilespmem:s28+$0x1B0]  }
0x3c0: {  	v8 =	vld [tilespmem:s30+$0x1C0]  }
0x3c1: {  	v9 =	vld [tilespmem:s28+$0x1C0]  }
0x3c2: {  	v10 =	vld [tilespmem:s30+$0x1D0]  }
0x3c3: {  	v16 =	vld [tilespmem:s28+$0xFFFFFE00]  }
0x3c4: {  	v11 =	vld [tilespmem:s28+$0x1D0]  }
0x3c5: {  	v12 =	vld [tilespmem:s30+$0x1E0]  }
0x3c6: {  	v13 =	vld [tilespmem:s28+$0x1E0]  }
0x3c7: {  	v14 =	vld [tilespmem:s30+$0x1F0]  }
0x3c8: {  	v15 =	vld [tilespmem:s28+$0x1F0];
	[tilespmem:$0x1FB40] =	vst v16  }
0x3c9: {  	v17 =	vld [tilespmem:s30+$0xFFFFFE10]  }
0x3ca: {  	v18 =	vld [tilespmem:s28+$0xFFFFFE10]  }
0x3cb: {  	v19 =	vld [tilespmem:s30+$0xFFFFFE80]  }
0x3cc: {  	v20 =	vld [tilespmem:s28+$0xFFFFFE80]  }
0x3cd: {  	v21 =	vld [tilespmem:s30+$0xFFFFFE90]  }
0x3ce: {  	v22 =	vld [tilespmem:s28+$0xFFFFFE90]  }
0x3cf: {  	v23 =	vld [tilespmem:s30+$0xFFFFFF00]  }
0x3d0: {  	v24 =	vld [tilespmem:s28+$0xFFFFFF00]  }
0x3d1: {  	v25 =	vld [tilespmem:s30+$0xFFFFFF10]  }
0x3d2: {  	v26 =	vld [tilespmem:s28+$0xFFFFFF10]  }
0x3d3: {  	v27 =	vld [tilespmem:s30+$0xFFFFFF80]  }
0x3d4: {  	v28 =	vld [tilespmem:s28+$0xFFFFFF80]  }
0x3d5: {  	v29 =	vld [tilespmem:s30+$0xFFFFFF90]  }
0x3d6: {  	v30 =	vld [tilespmem:s28+$0xFFFFFF90]  }
0x3d7: {  	v31 =	vld [tilespmem:s30+$0x0]  }
0x3d8: {  	v32 =	vld [tilespmem:s28+$0x0]  }
0x3d9: {  	v33 =	vld [tilespmem:s30+$0x10]  }
0x3da: {  	v34 =	vld [tilespmem:s28+$0x10]  }
0x3db: {  	v35 =	vld [tilespmem:s30+$0x80]  }
0x3dc: {  	v36 =	vld [tilespmem:s28+$0x80]  }
0x3dd: {  	v37 =	vld [tilespmem:s30+$0x90]  }
0x3de: {  	v38 =	vld [tilespmem:s28+$0x90]  }
0x3df: {  	v39 =	vld [tilespmem:s30+$0x100]  }
0x3e0: {  	v40 =	vld [tilespmem:s28+$0x100]  }
0x3e1: {  	v41 =	vld [tilespmem:s30+$0x110]  }
0x3e2: {  	v42 =	vld [tilespmem:s28+$0x110]  }
0x3e3: {  	v43 =	vld [tilespmem:s30+$0xFFFFFE00]  }
0x3e4: {  	v44 =	vld [tilespmem:s30+$0xFFFFFE20]  }
0x3e5: {  	v45 =	vld [tilespmem:s28+$0xFFFFFE20]  }
0x3e6: {  	v46 =	vld [tilespmem:s30+$0xFFFFFEA0]  }
0x3e7: {  	v47 =	vld [tilespmem:s28+$0xFFFFFEA0]  }
0x3e8: {  	v48 =	vld [tilespmem:s30+$0xFFFFFF20]  }
0x3e9: {  	v49 =	vld [tilespmem:s28+$0xFFFFFF20]  }
0x3ea: {  	v50 =	vld [tilespmem:s30+$0xFFFFFFA0]  }
0x3eb: {  	v51 =	vld [tilespmem:s28+$0xFFFFFFA0]  }
0x3ec: {  	v52 =	vld [tilespmem:s30+$0x20]  }
0x3ed: {  	v53 =	vld [tilespmem:s28+$0x20]  }
0x3ee: {  	v54 =	vld [tilespmem:s30+$0xA0]  }
0x3ef: {  	v55 =	vld [tilespmem:s28+$0xA0]  }
0x3f0: {  	v56 =	vld [tilespmem:s30+$0x120]  }
0x3f1: {  	v16 =	vld [tilespmem:s30+$0xFFFFFF30]  }
0x3f2: {  	v57 =	vld [tilespmem:s28+$0x120]  }
0x3f3: {  	v58 =	vld [tilespmem:s30+$0xFFFFFE30]  }
0x3f4: {  	v59 =	vld [tilespmem:s28+$0xFFFFFE30]  }
0x3f5: {  	v60 =	vld [tilespmem:s30+$0xFFFFFEB0]  }
0x3f6: {  	v61 =	vld [tilespmem:s28+$0xFFFFFEB0];
	[tilespmem:$0x1FB50] =	vst v16  }
0x3f7: {  	v16 =	vld [tilespmem:s30+$0xFFFFFFB0];
	_ =	sdelay $0x4  }
0x3f8: {  	v63 =	vld [tilespmem:s28+$0xFFFFFF30];
	[tilespmem:$0x1FB60] =	vst v16  }
0x3f9: {  	v16 =	vld [tilespmem:s28+$0xFFFFFFB0];
	_ =	sdelay $0x4  }
0x3fa: {  	[tilespmem:$0x1FB70] =	vst v16  }
0x3fb: {  	v16 =	vld [tilespmem:s30+$0x30];
	_ =	sdelay $0x4  }
0x3fc: {  	[tilespmem:$0x1FB80] =	vst v16  }
0x3fd: {  	v16 =	vld [tilespmem:s28+$0x30];
	_ =	sdelay $0x4  }
0x3fe: {  	[tilespmem:$0x1FB90] =	vst v16  }
0x3ff: {  	v16 =	vld [tilespmem:s30+$0xB0];
	_ =	sdelay $0x4  }
0x400: {  	[tilespmem:$0x1FBA0] =	vst v16  }
0x401: {  	v16 =	vld [tilespmem:s28+$0xB0];
	_ =	sdelay $0x4  }
0x402: {  	[tilespmem:$0x1FBB0] =	vst v16  }
0x403: {  	v16 =	vld [tilespmem:s30+$0x130];
	_ =	sdelay $0x4  }
0x404: {  	[tilespmem:$0x1FBC0] =	vst v16  }
0x405: {  	v16 =	vld [tilespmem:s30+$0xFFFFFE40];
	_ =	sdelay $0x4  }
0x406: {  	v62 =	vld [tilespmem:s28+$0x130];
	[tilespmem:$0x1FBD0] =	vst v16  }
0x407: {  	v16 =	vld [tilespmem:s28+$0xFFFFFE40];
	_ =	sdelay $0x4  }
0x408: {  	[tilespmem:$0x1FBE0] =	vst v16  }
0x409: {  	v16 =	vld [tilespmem:s30+$0xFFFFFEC0];
	_ =	sdelay $0x4  }
0x40a: {  	[tilespmem:$0x1FBF0] =	vst v16  }
0x40b: {  	v16 =	vld [tilespmem:s28+$0xFFFFFEC0];
	_ =	sdelay $0x4  }
0x40c: {  	[tilespmem:$0x1FC00] =	vst v16  }
0x40d: {  	v16 =	vld [tilespmem:s30+$0xFFFFFF40];
	_ =	sdelay $0x4  }
0x40e: {  	[tilespmem:$0x1FC10] =	vst v16  }
0x40f: {  	v16 =	vld [tilespmem:s28+$0xFFFFFF40];
	_ =	sdelay $0x3  }
0x410: {  	v0 =	vmul.f32 v1, v0;
	v1 =	vmul.f32 v3, v2  }
0x411: {  	[tilespmem:$0x1FC20] =	vst v16  }
0x412: {  	v0 =	vadd.f32 v1, v0;
	v1 =	vmul.f32 v5, v4;
	v16 =	vld [tilespmem:s30+$0xFFFFFFC0];
	_ =	sdelay $0x1  }
0x413: {  	v0 =	vadd.f32 v1, v0;
	v1 =	vmul.f32 v7, v6;
	v37 =	vmul.f32 v38, v37  }
0x414: {  	v38 =	vld [tilespmem:$0x1FB40];
	v39 =	vmul.f32 v40, v39;
	v40 =	vmul.f32 v42, v41  }
0x415: {  	v41 =	vmul.f32 v45, v44;
	v44 =	vmul.f32 v51, v50;
	v50 =	vld [tilespmem:$0x1FB50]  }
0x416: {  	v45 =	vmul.f32 v53, v52;
	v52 =	vld [tilespmem:$0x1FB60];
	[tilespmem:$0x1FC30] =	vst v16  }
0x417: {  	v0 =	vadd.f32 v1, v0;
	v1 =	vmul.f32 v9, v8;
	v16 =	vld [tilespmem:s28+$0xFFFFFFC0]  }
0x418: {  	v42 =	vmul.f32 v47, v46;
	v53 =	vld [tilespmem:$0x1FB70]  }
0x419: {  	v46 =	vmul.f32 v55, v54;
	v0 =	vadd.f32 v1, v0;
	v1 =	vmul.f32 v11, v10;
	v54 =	vld [tilespmem:$0x1FB80]  }
0x41a: {  	v28 =	vmul.f32 v28, v27;
	v47 =	vmul.f32 v57, v56;
	v55 =	vld [tilespmem:$0x1FB90]  }
0x41b: {  	v0 =	vadd.f32 v1, v0;
	v1 =	vmul.f32 v13, v12;
	v27 =	vmul.f32 v38, v43;
	v56 =	vld [tilespmem:$0x1FBA0]  }
0x41c: {  	v43 =	vmul.f32 v49, v48;
	v48 =	vmul.f32 v59, v58;
	v58 =	vld [tilespmem:$0x1FBC0];
	[tilespmem:$0x1FC40] =	vst v16  }
0x41d: {  	v32 =	vmul.f32 v32, v31;
	v16 =	vld [tilespmem:s30+$0x40]  }
0x41e: {  	v34 =	vmul.f32 v34, v33;
	v13 =	vmul.f32 v15, v14;
	v0 =	vadd.f32 v1, v0;
	v57 =	vld [tilespmem:$0x1FBB0]  }
0x41f: {  	v15 =	vmul.f32 v20, v19;
	v19 =	vmul.f32 v24, v23;
	v59 =	vld [tilespmem:$0x1FBD0]  }
0x420: {  	v49 =	vmul.f32 v61, v60;
	v13 =	vadd.f32 v13, v0;
	v0 =	vmul.f32 v26, v25;
	v60 =	vld [tilespmem:$0x1FBE0]  }
0x421: {  	v36 =	vmul.f32 v36, v35;
	v1 =	vmul.f32 v18, v17;
	v61 =	vld [tilespmem:$0x1FBF0]  }
0x422: {  	v0 =	vadd.f32 v0, v19;
	v19 =	vadd.f32 v34, v32;
	v38 =	vmul.f32 v62, v58;
	v62 =	vld [tilespmem:$0x1FC00];
	[tilespmem:$0x1FC50] =	vst v16  }
0x423: {  	v18 =	vmul.f32 v22, v21;
	v21 =	vadd.f32 v37, v36;
	v1 =	vadd.f32 v1, v27;
	v16 =	vld [tilespmem:s28+$0x40]  }
0x424: {  	v23 =	vadd.f32 v40, v39;
	v19 =	vadd.f32 v45, v19;
	v45 =	vld [tilespmem:$0x1FC10]  }
0x425: {  	v21 =	vadd.f32 v46, v21;
	v1 =	vadd.f32 v41, v1;
	v46 =	vld [tilespmem:$0x1FC20]  }
0x426: {  	v23 =	vadd.f32 v47, v23;
	v47 =	vld [tilespmem:$0x1FC30]  }
0x427: {  	v1 =	vadd.f32 v48, v1;
	v48 =	vld [tilespmem:$0x1FC40]  }
0x428: {  	v51 =	vmul.f32 v63, v50;
	v50 =	vld [tilespmem:$0x1FC50];
	[tilespmem:$0x1FC60] =	vst v16  }
0x429: {  	v2 =	vld [tilespmem:s30+$0xC0]  }
0x42a: {  	v3 =	vld [tilespmem:s28+$0xC0]  }
0x42b: {  	v4 =	vld [tilespmem:s30+$0x140]  }
0x42c: {  	v5 =	vld [tilespmem:s28+$0x140]  }
0x42d: {  	v6 =	vld [tilespmem:s30+$0xFFFFFE50]  }
0x42e: {  	v7 =	vld [tilespmem:s28+$0xFFFFFE50]  }
0x42f: {  	v8 =	vld [tilespmem:s30+$0xFFFFFED0]  }
0x430: {  	v9 =	vld [tilespmem:s28+$0xFFFFFED0]  }
0x431: {  	v10 =	vld [tilespmem:s30+$0xFFFFFF50]  }
0x432: {  	v11 =	vld [tilespmem:s28+$0xFFFFFF50]  }
0x433: {  	v12 =	vld [tilespmem:s30+$0xFFFFFFD0]  }
0x434: {  	v14 =	vld [tilespmem:s28+$0xFFFFFFD0]  }
0x435: {  	v17 =	vld [tilespmem:s30+$0x50]  }
0x436: {  	v20 =	vld [tilespmem:s28+$0x50]  }
0x437: {  	v22 =	vld [tilespmem:s30+$0xD0]  }
0x438: {  	v30 =	vmul.f32 v30, v29;
	v24 =	vld [tilespmem:s28+$0xD0]  }
0x439: {  	v26 =	vld [tilespmem:s30+$0x150]  }
0x43a: {  	v15 =	vadd.f32 v18, v15;
	v18 =	vadd.f32 v30, v28;
	v28 =	vld [tilespmem:s28+$0x150]  }
0x43b: {  	v30 =	vld [tilespmem:s30+$0xFFFFFE60]  }
0x43c: {  	v32 =	vld [tilespmem:s28+$0xFFFFFE60]  }
0x43d: {  	v29 =	vld [tilespmem:s30+$0xFFFFFEE0]  }
0x43e: {  	v31 =	vld [tilespmem:s28+$0xFFFFFEE0]  }
0x43f: {  	v34 =	vld [tilespmem:s30+$0xFFFFFF60]  }
0x440: {  	v36 =	vld [tilespmem:s28+$0xFFFFFF60]  }
0x441: {  	v0 =	vadd.f32 v43, v0;
	v33 =	vld [tilespmem:s30+$0xFFFFFFE0]  }
0x442: {  	v35 =	vld [tilespmem:s28+$0xFFFFFFE0]  }
0x443: {  	v15 =	vadd.f32 v42, v15;
	v0 =	vadd.f32 v51, v0;
	v27 =	vmul.f32 v57, v56;
	v51 =	vld [tilespmem:$0x1FC60]  }
0x444: {  	v18 =	vadd.f32 v44, v18;
	v25 =	vmul.f32 v53, v52;
	v16 =	vmul.f32 v55, v54;
	v37 =	vld [tilespmem:s30+$0x60]  }
0x445: {  	v15 =	vadd.f32 v49, v15;
	v21 =	vadd.f32 v27, v21;
	v27 =	vmul.f32 v62, v61;
	v39 =	vld [tilespmem:s28+$0x60]  }
0x446: {  	v18 =	vadd.f32 v25, v18;
	v25 =	vld [tilespmem:s30+$0xE0];
	v16 =	vadd.f32 v16, v19;
	v19 =	vmul.f32 v60, v59  }
0x447: {  	v15 =	vadd.f32 v27, v15;
	v40 =	vmul.f32 v48, v47;
	v63 =	vld [tilespmem:s28+$0xE0]  }
0x448: {  	v49 =	vld [tilespmem:s30+$0x160];
	v1 =	vadd.f32 v19, v1;
	v19 =	vmul.f32 v46, v45;
	v27 =	vmul.f32 v51, v50  }
0x449: {  	v52 =	vld [tilespmem:s28+$0xFFFFFEF0];
	v2 =	vmul.f32 v3, v2;
	v4 =	vmul.f32 v5, v4  }
0x44a: {  	v23 =	vadd.f32 v38, v23;
	v53 =	vld [tilespmem:s30+$0xFFFFFF70];
	v6 =	vmul.f32 v7, v6;
	v8 =	vmul.f32 v9, v8  }
0x44b: {  	v18 =	vadd.f32 v40, v18;
	v55 =	vld [tilespmem:s28+$0xFFFFFF70];
	v9 =	vmul.f32 v11, v10;
	v11 =	vmul.f32 v20, v17  }
0x44c: {  	v0 =	vadd.f32 v19, v0;
	v5 =	vld [tilespmem:s30+$0xFFFFFE70];
	v54 =	vmul.f32 v28, v26;
	v56 =	vmul.f32 v31, v29  }
0x44d: {  	v10 =	vld [tilespmem:s30+$0xFFFFFEF0];
	v58 =	vmul.f32 v36, v34;
	v59 =	vmul.f32 v35, v33;
	v16 =	vadd.f32 v27, v16  }
0x44e: {  	v7 =	vld [tilespmem:s28+$0xFFFFFE70];
	v2 =	vadd.f32 v2, v21;
	v1 =	vadd.f32 v6, v1;
	v6 =	vmul.f32 v14, v12  }
0x44f: {  	v57 =	vld [tilespmem:s30+$0xFFFFFFF0];
	v4 =	vadd.f32 v4, v23;
	v0 =	vadd.f32 v9, v0;
	v9 =	vmul.f32 v24, v22  }
0x450: {  	v3 =	vld [tilespmem:s28+$0x160];
	v61 =	vmul.f32 v39, v37;
	v8 =	vadd.f32 v8, v15;
	v6 =	vadd.f32 v6, v18  }
0x451: {  	v60 =	vld [tilespmem:s28+$0xFFFFFFF0];
	v11 =	vadd.f32 v11, v16;
	v2 =	vadd.f32 v9, v2;
	v9 =	vmul.f32 v32, v30  }
0x452: {  	v15 =	vadd.f32 v54, v4;
	v8 =	vadd.f32 v56, v8;
	v4 =	vld [tilespmem:s30+$0x70];
	v10 =	vmul.f32 v52, v10  }
0x453: {  	v7 =	vmul.f32 v7, v5;
	v5 =	vld [tilespmem:s28+$0x70];
	v1 =	vadd.f32 v9, v1;
	v9 =	vadd.f32 v58, v0  }
0x454: {  	s29 =	simm.s32 $0x105F0;
	v14 =	vmul.f32 v55, v53;
	v0 =	vadd.f32 v59, v6;
	v6 =	vld [tilespmem:s30+$0xF0];
	v10 =	vadd.f32 v10, v8  }
0x455: {  	[tilespmem:s29+$0x0] =	vst v13;
	v62 =	vmul.f32 v63, v25;
	v63 =	vmul.f32 v3, v49;
	v8 =	vld [tilespmem:s28+$0xF0];
	v7 =	vadd.f32 v7, v1  }
0x456: {  	v3 =	vadd.f32 v61, v11;
	v11 =	vmul.f32 v60, v57;
	[tilespmem:s29+$0xFFFFFFA0] =	vst v10;
	v10 =	vadd.f32 v14, v9;
	v9 =	vld [tilespmem:s28+$0x170]  }
0x457: {  	s31 =	simm.s32 $0x8A00;
	v1 =	vadd.f32 v62, v2;
	v2 =	vadd.f32 v63, v15;
	[tilespmem:s29+$0xFFFFFF90] =	vst v7;
	v7 =	vld [tilespmem:s30+$0x170];
	s30 =	simm.s32 $0x0  }
.LBB2_8:
0x458: {  	v12 =	vld [tilespmem:s31+$0x180];
	[tilespmem:s29+$0xFFFFFFB0] =	vst v10;
	v0 =	vadd.f32 v11, v0;
	v4 =	vmul.f32 v5, v4;
	s28 =	sadd.s32 $0x400, s28  }
0x459: {  	v5 =	vld [tilespmem:s28+$0x180]  }
0x45a: {  	v10 =	vld [tilespmem:s31+$0x190];
	[tilespmem:s29+$0xFFFFFFC0] =	vst v0;
	v0 =	vadd.f32 v4, v3;
	v3 =	vmul.f32 v8, v6  }
0x45b: {  	s30 =	sadd.s32 $0x8, s30;
	v4 =	vld [tilespmem:s28+$0x190]  }
0x45c: {  	p0 =	slt.u32 s30, $0x78;
	v6 =	vld [tilespmem:s31+$0x1A0];
	[tilespmem:s29+$0xFFFFFFD0] =	vst v0;
	v0 =	vadd.f32 v3, v1;
	v1 =	vmul.f32 v9, v7  }
0x45d: {  	v3 =	vld [tilespmem:s28+$0x1A0]  }
0x45e: {  	v7 =	vld [tilespmem:s31+$0x1B0];
	[tilespmem:s29+$0xFFFFFFE0] =	vst v0;
	v0 =	vadd.f32 v1, v2  }
0x45f: {  	v1 =	vld [tilespmem:s28+$0x1B0]  }
0x460: {  	v2 =	vmul.f32 v5, v12;
	v4 =	vmul.f32 v4, v10;
	v5 =	vld [tilespmem:s31+$0x1C0];
	[tilespmem:s29+$0xFFFFFFF0] =	vst v0  }
0x461: {  	v0 =	vld [tilespmem:s28+$0x1C0]  }
0x462: {  	v2 =	vadd.f32 v4, v2;
	v3 =	vmul.f32 v3, v6;
	v4 =	vld [tilespmem:s31+$0x1D0]  }
0x463: {  	v6 =	vld [tilespmem:s28+$0x1D0]  }
0x464: {  	v2 =	vadd.f32 v3, v2;
	v1 =	vmul.f32 v1, v7;
	v3 =	vld [tilespmem:s31+$0x1E0]  }
0x465: {  	v7 =	vld [tilespmem:s28+$0x1E0]  }
0x466: {  	v1 =	vadd.f32 v1, v2;
	v0 =	vmul.f32 v0, v5;
	v2 =	vld [tilespmem:s31+$0x1F0]  }
0x467: {  	v5 =	vld [tilespmem:s28+$0x1F0]  }
0x468: {  	v8 =	vld [tilespmem:s28+$0xFFFFFE00];
	v0 =	vadd.f32 v0, v1;
	v1 =	vmul.f32 v6, v4  }
0x469: {  	v4 =	vld [tilespmem:s31+$0xFFFFFE10]  }
0x46a: {  	v6 =	vld [tilespmem:s28+$0xFFFFFE10];
	v0 =	vadd.f32 v1, v0;
	v1 =	vmul.f32 v7, v3  }
0x46b: {  	v3 =	vld [tilespmem:s31+$0xFFFFFE80]  }
0x46c: {  	v7 =	vld [tilespmem:s28+$0xFFFFFE80];
	v0 =	vadd.f32 v1, v0;
	v1 =	vmul.f32 v5, v2  }
0x46d: {  	v2 =	vld [tilespmem:s31+$0xFFFFFE90]  }
0x46e: {  	v5 =	vld [tilespmem:s28+$0xFFFFFE90];
	v0 =	vadd.f32 v1, v0  }
0x46f: {  	s29 =	sadd.s32 $0x200, s29;
	v1 =	vmul.f32 v6, v4;
	v4 =	vld [tilespmem:s31+$0xFFFFFF00]  }
0x470: {  	v6 =	vld [tilespmem:s28+$0xFFFFFF00];
	[tilespmem:s29+$0x0] =	vst v0  }
0x471: {  	v0 =	vmul.f32 v7, v3;
	v3 =	vld [tilespmem:s31+$0xFFFFFF10]  }
0x472: {  	v7 =	vld [tilespmem:s28+$0xFFFFFF10]  }
0x473: {  	v2 =	vmul.f32 v5, v2;
	v5 =	vld [tilespmem:s31+$0xFFFFFF80]  }
0x474: {  	v9 =	vld [tilespmem:s28+$0xFFFFFF80]  }
0x475: {  	v0 =	vadd.f32 v2, v0;
	v2 =	vmul.f32 v6, v4;
	v4 =	vld [tilespmem:s31+$0xFFFFFF90]  }
0x476: {  	v6 =	vld [tilespmem:s28+$0xFFFFFF90]  }
0x477: {  	v3 =	vmul.f32 v7, v3;
	v7 =	vld [tilespmem:s31+$0x0]  }
0x478: {  	v10 =	vld [tilespmem:s28+$0x0]  }
0x479: {  	v2 =	vadd.f32 v3, v2;
	v3 =	vmul.f32 v9, v5;
	v5 =	vld [tilespmem:s31+$0x10]  }
0x47a: {  	v9 =	vld [tilespmem:s28+$0x10]  }
0x47b: {  	v4 =	vmul.f32 v6, v4;
	v6 =	vld [tilespmem:s31+$0x80]  }
0x47c: {  	v11 =	vld [tilespmem:s28+$0x80]  }
0x47d: {  	v3 =	vadd.f32 v4, v3;
	v4 =	vmul.f32 v10, v7;
	v7 =	vld [tilespmem:s31+$0x90]  }
0x47e: {  	v10 =	vld [tilespmem:s28+$0x90]  }
0x47f: {  	v5 =	vmul.f32 v9, v5;
	v9 =	vld [tilespmem:s31+$0x100]  }
0x480: {  	v12 =	vld [tilespmem:s28+$0x100]  }
0x481: {  	v4 =	vadd.f32 v5, v4;
	v5 =	vmul.f32 v11, v6;
	v6 =	vld [tilespmem:s31+$0x110]  }
0x482: {  	v11 =	vld [tilespmem:s28+$0x110]  }
0x483: {  	v13 =	vld [tilespmem:s31+$0xFFFFFE00];
	v7 =	vmul.f32 v10, v7  }
0x484: {  	v10 =	vld [tilespmem:s31+$0xFFFFFE20]  }
0x485: {  	v14 =	vld [tilespmem:s28+$0xFFFFFE20];
	v5 =	vadd.f32 v7, v5;
	v7 =	vmul.f32 v12, v9  }
0x486: {  	v9 =	vld [tilespmem:s31+$0xFFFFFEA0]  }
0x487: {  	v12 =	vld [tilespmem:s28+$0xFFFFFEA0];
	v6 =	vmul.f32 v11, v6  }
0x488: {  	v8 =	vmul.f32 v8, v13;
	v11 =	vld [tilespmem:s31+$0xFFFFFF20]  }
0x489: {  	v13 =	vld [tilespmem:s28+$0xFFFFFF20];
	v6 =	vadd.f32 v6, v7  }
0x48a: {  	v1 =	vadd.f32 v1, v8;
	v7 =	vmul.f32 v14, v10;
	v8 =	vld [tilespmem:s31+$0xFFFFFFA0]  }
0x48b: {  	v10 =	vld [tilespmem:s28+$0xFFFFFFA0]  }
0x48c: {  	v1 =	vadd.f32 v7, v1;
	v7 =	vmul.f32 v12, v9;
	v9 =	vld [tilespmem:s31+$0x20]  }
0x48d: {  	v12 =	vld [tilespmem:s28+$0x20]  }
0x48e: {  	v0 =	vadd.f32 v7, v0;
	v7 =	vmul.f32 v13, v11;
	v11 =	vld [tilespmem:s31+$0xA0]  }
0x48f: {  	v13 =	vld [tilespmem:s28+$0xA0]  }
0x490: {  	v2 =	vadd.f32 v7, v2;
	v7 =	vmul.f32 v10, v8;
	v8 =	vld [tilespmem:s31+$0x120]  }
0x491: {  	v10 =	vld [tilespmem:s28+$0x120]  }
0x492: {  	v14 =	vld [tilespmem:s31+$0xFFFFFE30];
	v3 =	vadd.f32 v7, v3;
	v7 =	vmul.f32 v12, v9  }
0x493: {  	v9 =	vld [tilespmem:s28+$0xFFFFFE30]  }
0x494: {  	v12 =	vld [tilespmem:s31+$0xFFFFFEB0];
	v4 =	vadd.f32 v7, v4;
	v7 =	vmul.f32 v13, v11  }
0x495: {  	v11 =	vld [tilespmem:s28+$0xFFFFFEB0]  }
0x496: {  	v13 =	vld [tilespmem:s31+$0xFFFFFF30];
	v5 =	vadd.f32 v7, v5;
	v7 =	vmul.f32 v10, v8  }
0x497: {  	v8 =	vld [tilespmem:s28+$0xFFFFFF30]  }
0x498: {  	v9 =	vmul.f32 v9, v14;
	v10 =	vld [tilespmem:s31+$0xFFFFFFB0];
	v6 =	vadd.f32 v7, v6  }
0x499: {  	v7 =	vld [tilespmem:s28+$0xFFFFFFB0]  }
0x49a: {  	v1 =	vadd.f32 v9, v1;
	v9 =	vmul.f32 v11, v12;
	v11 =	vld [tilespmem:s31+$0x30]  }
0x49b: {  	v12 =	vld [tilespmem:s28+$0x30]  }
0x49c: {  	v0 =	vadd.f32 v9, v0;
	v8 =	vmul.f32 v8, v13;
	v9 =	vld [tilespmem:s31+$0xB0]  }
0x49d: {  	v13 =	vld [tilespmem:s28+$0xB0]  }
0x49e: {  	v2 =	vadd.f32 v8, v2;
	v7 =	vmul.f32 v7, v10;
	v8 =	vld [tilespmem:s31+$0x130]  }
0x49f: {  	v10 =	vld [tilespmem:s28+$0x130]  }
0x4a0: {  	v14 =	vld [tilespmem:s31+$0xFFFFFE40];
	v3 =	vadd.f32 v7, v3;
	v7 =	vmul.f32 v12, v11  }
0x4a1: {  	v11 =	vld [tilespmem:s28+$0xFFFFFE40]  }
0x4a2: {  	v12 =	vld [tilespmem:s31+$0xFFFFFEC0];
	v4 =	vadd.f32 v7, v4;
	v7 =	vmul.f32 v13, v9  }
0x4a3: {  	v9 =	vld [tilespmem:s28+$0xFFFFFEC0]  }
0x4a4: {  	v13 =	vld [tilespmem:s31+$0xFFFFFF40];
	v5 =	vadd.f32 v7, v5;
	v7 =	vmul.f32 v10, v8  }
0x4a5: {  	v8 =	vld [tilespmem:s28+$0xFFFFFF40]  }
0x4a6: {  	v10 =	vmul.f32 v11, v14;
	v11 =	vld [tilespmem:s31+$0xFFFFFFC0];
	v6 =	vadd.f32 v7, v6  }
0x4a7: {  	v7 =	vld [tilespmem:s28+$0xFFFFFFC0]  }
0x4a8: {  	v1 =	vadd.f32 v10, v1;
	v9 =	vmul.f32 v9, v12;
	v10 =	vld [tilespmem:s31+$0x40]  }
0x4a9: {  	v12 =	vld [tilespmem:s28+$0x40]  }
0x4aa: {  	v0 =	vadd.f32 v9, v0;
	v8 =	vmul.f32 v8, v13;
	v9 =	vld [tilespmem:s31+$0xC0]  }
0x4ab: {  	v13 =	vld [tilespmem:s28+$0xC0]  }
0x4ac: {  	v2 =	vadd.f32 v8, v2;
	v7 =	vmul.f32 v7, v11;
	v8 =	vld [tilespmem:s31+$0x140]  }
0x4ad: {  	v11 =	vld [tilespmem:s28+$0x140]  }
0x4ae: {  	v14 =	vld [tilespmem:s31+$0xFFFFFE50];
	v3 =	vadd.f32 v7, v3;
	v7 =	vmul.f32 v12, v10  }
0x4af: {  	v10 =	vld [tilespmem:s28+$0xFFFFFE50]  }
0x4b0: {  	v12 =	vld [tilespmem:s31+$0xFFFFFED0];
	v4 =	vadd.f32 v7, v4;
	v7 =	vmul.f32 v13, v9  }
0x4b1: {  	v9 =	vld [tilespmem:s28+$0xFFFFFED0]  }
0x4b2: {  	v13 =	vld [tilespmem:s31+$0xFFFFFF50];
	v5 =	vadd.f32 v7, v5;
	v7 =	vmul.f32 v11, v8  }
0x4b3: {  	v8 =	vld [tilespmem:s28+$0xFFFFFF50]  }
0x4b4: {  	v10 =	vmul.f32 v10, v14;
	v11 =	vld [tilespmem:s31+$0xFFFFFFD0];
	v6 =	vadd.f32 v7, v6  }
0x4b5: {  	v7 =	vld [tilespmem:s28+$0xFFFFFFD0]  }
0x4b6: {  	v1 =	vadd.f32 v10, v1;
	v9 =	vmul.f32 v9, v12;
	v10 =	vld [tilespmem:s31+$0x50]  }
0x4b7: {  	v12 =	vld [tilespmem:s28+$0x50]  }
0x4b8: {  	v0 =	vadd.f32 v9, v0;
	v8 =	vmul.f32 v8, v13;
	v9 =	vld [tilespmem:s31+$0xD0]  }
0x4b9: {  	v13 =	vld [tilespmem:s28+$0xD0]  }
0x4ba: {  	v2 =	vadd.f32 v8, v2;
	v7 =	vmul.f32 v7, v11;
	v8 =	vld [tilespmem:s31+$0x150]  }
0x4bb: {  	v11 =	vld [tilespmem:s28+$0x150]  }
0x4bc: {  	v14 =	vld [tilespmem:s31+$0xFFFFFE60];
	v3 =	vadd.f32 v7, v3;
	v7 =	vmul.f32 v12, v10  }
0x4bd: {  	v10 =	vld [tilespmem:s28+$0xFFFFFE60]  }
0x4be: {  	v12 =	vld [tilespmem:s31+$0xFFFFFEE0];
	v4 =	vadd.f32 v7, v4;
	v7 =	vmul.f32 v13, v9  }
0x4bf: {  	v9 =	vld [tilespmem:s28+$0xFFFFFEE0]  }
0x4c0: {  	v13 =	vld [tilespmem:s31+$0xFFFFFF60];
	v5 =	vadd.f32 v7, v5;
	v7 =	vmul.f32 v11, v8  }
0x4c1: {  	v8 =	vld [tilespmem:s28+$0xFFFFFF60]  }
0x4c2: {  	v10 =	vmul.f32 v10, v14;
	v11 =	vld [tilespmem:s31+$0xFFFFFFE0];
	v6 =	vadd.f32 v7, v6  }
0x4c3: {  	v7 =	vld [tilespmem:s28+$0xFFFFFFE0]  }
0x4c4: {  	v10 =	vadd.f32 v10, v1;
	v1 =	vmul.f32 v9, v12;
	v9 =	vld [tilespmem:s31+$0x60]  }
0x4c5: {  	v12 =	vld [tilespmem:s28+$0x60]  }
0x4c6: {  	v14 =	vadd.f32 v1, v0;
	v0 =	vmul.f32 v8, v13;
	v1 =	vld [tilespmem:s31+$0xE0]  }
0x4c7: {  	v8 =	vld [tilespmem:s28+$0xE0]  }
0x4c8: {  	v13 =	vadd.f32 v0, v2;
	v0 =	vmul.f32 v7, v11;
	v2 =	vld [tilespmem:s31+$0x160]  }
0x4c9: {  	v7 =	vld [tilespmem:s28+$0x160]  }
0x4ca: {  	v11 =	vld [tilespmem:s31+$0xFFFFFE70];
	v0 =	vadd.f32 v0, v3;
	v3 =	vmul.f32 v12, v9  }
0x4cb: {  	v9 =	vld [tilespmem:s28+$0xFFFFFE70]  }
0x4cc: {  	v12 =	vld [tilespmem:s31+$0xFFFFFEF0];
	v3 =	vadd.f32 v3, v4;
	v1 =	vmul.f32 v8, v1  }
0x4cd: {  	v4 =	vld [tilespmem:s28+$0xFFFFFEF0]  }
0x4ce: {  	v8 =	vld [tilespmem:s31+$0xFFFFFF70];
	v1 =	vadd.f32 v1, v5;
	v2 =	vmul.f32 v7, v2  }
0x4cf: {  	v7 =	vld [tilespmem:s28+$0xFFFFFF70]  }
0x4d0: {  	v5 =	vmul.f32 v9, v11;
	v9 =	vld [tilespmem:s31+$0xFFFFFFF0];
	v2 =	vadd.f32 v2, v6  }
0x4d1: {  	v11 =	vld [tilespmem:s28+$0xFFFFFFF0]  }
0x4d2: {  	v6 =	vadd.f32 v5, v10;
	v10 =	vmul.f32 v4, v12;
	v4 =	vld [tilespmem:s31+$0x70]  }
.Ltmp3:
0x4d3: {  	v5 =	vld [tilespmem:s28+$0x70];
	(pc) =	sbr.rel @p0 .LBB2_8-.Ltmp3, $4  }
0x4d4: {  	[tilespmem:s29+$0xFFFFFF90] =	vst v6;
	v10 =	vadd.f32 v10, v14;
	v7 =	vmul.f32 v7, v8;
	v6 =	vld [tilespmem:s31+$0xF0]  }
0x4d5: {  	v8 =	vld [tilespmem:s28+$0xF0]  }
0x4d6: {  	[tilespmem:s29+$0xFFFFFFA0] =	vst v10;
	v10 =	vadd.f32 v7, v13;
	v11 =	vmul.f32 v11, v9;
	v7 =	vld [tilespmem:s31+$0x170]  }
0x4d7: {  	s31 =	sadd.s32 $0x400, s31;
	v9 =	vld [tilespmem:s28+$0x170]  }
0x4d8: {  	_ =	sdelay $0x1  }
0x4d9: {  	v4 =	vmul.f32 v5, v4  }
0x4da: {  	v0 =	vadd.f32 v11, v0;
	v60 =	vmul.f32 v8, v6  }
0x4db: {  	[tilespmem:s29+$0xFFFFFFB0] =	vst v10;
	v3 =	vadd.f32 v4, v3;
	v61 =	vmul.f32 v9, v7  }
0x4dc: {  	[tilespmem:s29+$0xFFFFFFC0] =	vst v0;
	v62 =	vadd.f32 v60, v1  }
0x4dd: {  	s26 =	sadd.s32 $0x1, s26;
	[tilespmem:s29+$0xFFFFFFD0] =	vst v3;
	v63 =	vadd.f32 v61, v2  }
0x4de: {  	p0 =	sne.s32 s26, s8;
	[tilespmem:s29+$0xFFFFFFE0] =	vst v62  }
.Ltmp4:
0x4df: {  	[tilespmem:s29+$0xFFFFFFF0] =	vst v63;
	(pc) =	sbr.rel @p0 .LBB2_1-.Ltmp4, $4  }
0x4e0: {  	[hbm4b:s7+s10] =	stream.strided.scatter [tilespmem:s25], [sflag:$0x5], $0x2000, s12, s10, $0x38;
	[tilespmem:$0x12400] =	vst v63  }
0x4e1: {  	_ =	swait.ge [sflag:s9], $0x2000  }
0x4e2: {  	[sflag:s9] =	ssyncset.done $0x0  }
0x4e3: {  	[sflag:s9] =	ssyncadd.s32 $0xFFFFE000  }
0x4e4: {  	_ =	sfence.sel $0x180000  }
0x4e5: {  	[bflag:$0x0] =	sbarrier.arrive $0xFFFF  }
0x4e6: {  	p0 =	sne.s32 s4, $0x0;
	_ =	strace $0x90000047  }
0x4e7: {  	s0 =	sadd.s32 @!p0 $0x100000, s0;
	[bflag:$0x2] =	sbarrier.arrive $0xFFFF  }
0x4e8: {  	[sflag:s0] =	ssyncadd.tile.s32 @!p0 $0x1;
	_ =	shalt  }
.Lfunc_end2:
_tile_overlayer_lowered:
.L_overlay_start_2:
0x4e9: {  	(tag) =	ssettag $0x2  }
0x4ea: {  	s0 =	rddreg [dreg:$0x0];
	s2 =	stileid.u32  }
0x4eb: {  	s1 =	rddreg [dreg:$0x1];
	p0 =	sne.s32 s2, $0x0  }
0x4ec: {  	s3 =	rddreg [dreg:$0x2];
	[bflag:$0x3] =	sbarrier.arrive $0xFFFF;
	s2 =	simm.s32 @!p0 $0x1C05  }
0x4ed: {  	[timem:s3], [sflag:s2] =	dma.local @!p0 [hbm:s0], s1  }
0x4ee: {  	s0 =	simm.s32 @!p0 $0x5  }
0x4ef: {  	_ =	swait.ge @!p0 [sflag:s0], s1  }
0x4f0: {  	s1 =	ssub.s32 @!p0 $0x0, s1;
	[sflag:s0] =	ssyncset.done @!p0 $0x0  }
0x4f1: {  	[sflag:s0] =	ssyncadd.s32 @!p0 s1  }
0x4f2: {  	[bflag:$0x3] =	sbarrier.arrive $0xFFFF  }
0x4f3: {  	_ =	shalt  }

</sc_bundles>
